<compile_context>
chip_gen: v7x
topology: tpu7x:2x2x1
jax: 0.10.2.dev20260603
libtpu: 0.0.44.dev20260713+nightly
codegen_flags: <defaults>
</compile_context>

<pallas_src>
import functools
import math

import jax
import jax.numpy as jnp
from jax import lax
from jax.experimental import pallas as pl
from jax.experimental.pallas import tpu as pltpu
from jax.experimental.pallas import tpu_sc as plsc

_D = 512
_H = 8
_DH = 64
_ST = 64
_WL = 256
_LVL = 2


def _sc_embed_scatter(nblk, NBb, D):
    NC, NS = 2, 16
    NW = NC * NS
    bpw = nblk // NW
    mesh = plsc.VectorSubcoreMesh(core_axis_name="c", subcore_axis_name="s",
                                  num_cores=NC, num_subcores=NS)

    @functools.partial(
        pl.kernel, mesh=mesh,
        out_type=jax.ShapeDtypeStruct((nblk * _ST, D), jnp.float32),
        scratch_types=[
            pltpu.VMEM((2 * _ST,), jnp.int32),
            pltpu.VMEM((_ST,), jnp.int32),
            pltpu.VMEM((16,), jnp.int32),
            pltpu.VMEM((16,), jnp.int32),
            pltpu.VMEM((_ST, D), jnp.float32),
            pltpu.SemaphoreType.DMA,
        ],
    )
    def k(sq_hbm, bi_hbm, out_hbm, bi_v, idx_v, idx16_v, prev16_v, rows_v, sem):
        wid = lax.axis_index("s") * NC + lax.axis_index("c")
        for r in range(bpw):
            blk = wid * bpw + r
            r0 = blk * _ST
            pltpu.sync_copy(bi_hbm.at[pl.ds(r0, 2 * _ST)], bi_v)
            idx16_v[...] = jnp.zeros((16,), jnp.int32) + r0
            pltpu.async_copy(bi_hbm.at[idx16_v], prev16_v, sem).wait()
            bv = prev16_v[...] + 1
            ib = jnp.minimum(blk % NBb, 1)
            for q in range(_ST // 16):
                cur = bi_v[pl.ds(_ST + q * 16, 16)]
                eq = 1 - jnp.minimum(jnp.abs(cur - bv), 1)
                idx_v[pl.ds(q * 16, 16)] = eq * ib * blk
            pltpu.async_copy(sq_hbm.at[idx_v], rows_v, sem).wait()
            pltpu.sync_copy(rows_v, out_hbm.at[pl.ds(r0, _ST)])

    return k


def _bar_kernel(lsi_ref, ss_ref, y_ref, bmr_ref, idsr_ref, bm3_ref, mem_ref,
                wq_ref, wk_ref, wv_ref, wo_ref, wqy_ref, wmk_ref,
                comt_ref, sq_ref, bio_ref, pet_scr, tpe_scr):
    S = y_ref.shape[1]
    NB = S // _ST
    half = _D // 2
    scale = 1.0 / math.sqrt(_DH)

    yb = y_ref[0]
    bm_r = bmr_ref[0]
    ids_r = idsr_ref[0]
    bm3 = bm3_ref[0].astype(jnp.float32)

    Bsel = (jax.lax.broadcasted_iota(jnp.int32, (NB, S), 1) // _ST ==
            jax.lax.broadcasted_iota(jnp.int32, (NB, S), 0)
            ).astype(jnp.float32)
    BselT = (jax.lax.broadcasted_iota(jnp.int32, (S, NB), 0) // _ST ==
             jax.lax.broadcasted_iota(jnp.int32, (S, NB), 1)
             ).astype(jnp.float32)
    G = jnp.where(
        jax.lax.broadcasted_iota(jnp.int32, (_D, _H), 0) // _DH ==
        jax.lax.broadcasted_iota(jnp.int32, (_D, _H), 1),
        scale, 0.0)
    GT = (jax.lax.broadcasted_iota(jnp.int32, (_H, _D), 1) // _DH ==
          jax.lax.broadcasted_iota(jnp.int32, (_H, _D), 0)
          ).astype(jnp.float32)

    TRIL = (jax.lax.broadcasted_iota(jnp.int32, (_ST, _ST), 0) <=
            jax.lax.broadcasted_iota(jnp.int32, (_ST, _ST), 1)
            ).astype(jnp.float32)
    LT = (jax.lax.broadcasted_iota(jnp.int32, (NB, NB), 1) <
          jax.lax.broadcasted_iota(jnp.int32, (NB, NB), 0)
          ).astype(jnp.float32)
    cs_in = jax.lax.dot_general(bm3, TRIL, (((1,), (0,)), ((), ())),
                                preferred_element_type=jnp.float32)
    offs = jnp.dot(LT, cs_in[:, _ST - 1:_ST],
                   preferred_element_type=jnp.float32)
    bi3f = cs_in + offs

    t_iota = jax.lax.broadcasted_iota(jnp.int32, (S, 1), 0)
    note_pos_r = t_iota - (t_iota // _ST) * _ST
    lane_oh = (jax.lax.broadcasted_iota(jnp.int32, (S, _ST), 1) ==
               note_pos_r).astype(jnp.float32)
    bi_rows = jnp.dot(BselT, bi3f, preferred_element_type=jnp.float32)
    bi_rf = jnp.dot(bi_rows * lane_oh,
                    jnp.ones((_ST, 1), jnp.float32),
                    preferred_element_type=jnp.float32)

    @pl.when(pl.program_id(0) == 0)
    def _tables():
        dim = jax.lax.broadcasted_iota(jnp.int32, (1, half), 1
                                       ).astype(jnp.float32)
        inv_freq = jnp.exp(dim * (-math.log(10000.0) / half))
        tab_pos = jax.lax.broadcasted_iota(jnp.int32, (_ST, 1), 0
                                           ).astype(jnp.float32)
        ang = tab_pos * inv_freq
        pet_scr[...] = jnp.concatenate([jnp.sin(ang), jnp.cos(ang)], axis=1)
        wlt = ss_ref[_LVL, 1].astype(jnp.float32)
        denom = jnp.maximum(wlt - 1.0, 1.0)
        tcol = jax.lax.broadcasted_iota(jnp.int32, (_WL, 1), 0
                                        ).astype(jnp.float32)
        ang2 = (tcol / denom * wlt) * inv_freq
        tpe_scr[...] = jnp.concatenate([jnp.sin(ang2), jnp.cos(ang2)], axis=1)

    onehot = (bi_rf == jax.lax.broadcasted_iota(jnp.int32, (S, _ST), 1
              ).astype(jnp.float32)).astype(jnp.float32)
    pe = jnp.dot(onehot, pet_scr[...], preferred_element_type=jnp.float32)
    y_pe = yb + pe

    _mmT = lambda a, w: jax.lax.dot_general(
        a, w, (((1,), (1,)), ((), ())), preferred_element_type=jnp.float32)
    K = _mmT(y_pe, wk_ref[...])
    V = _mmT(y_pe, wv_ref[...])
    q_rows = y_pe.reshape(NB, _ST, _D)[:, 0, :]
    Q = _mmT(q_rows, wq_ref[...])

    Qsel = jnp.broadcast_to(Q[:, None, :], (NB, _ST, _D)).reshape(S, _D)
    scores8 = jnp.dot(K * Qsel, G, preferred_element_type=jnp.float32)

    bval = bi3f[:, 0:1]
    bval_row = jnp.dot(BselT, bval, preferred_element_type=jnp.float32)
    own_r = ((bi_rf == bval_row) & (bm_r == 0) &
             (ids_r > 1) & (note_pos_r > 0))
    ownf_r = own_r.astype(jnp.float32)

    e8 = jnp.exp(scores8) * ownf_r
    den = jnp.dot(Bsel, e8, preferred_element_type=jnp.float32)
    inv_den = 1.0 / jnp.maximum(den, 1e-30)
    inv_row = jnp.dot(BselT, inv_den, preferred_element_type=jnp.float32)
    aw_exp = jnp.dot(e8 * inv_row, GT, preferred_element_type=jnp.float32)
    ctx = jnp.dot(Bsel, aw_exp * V, preferred_element_type=jnp.float32)
    sq_attn = _mmT(ctx, wo_ref[...])

    any_own = jnp.dot(Bsel, ownf_r, preferred_element_type=jnp.float32) > 0.0
    sq = jnp.where(any_own, sq_attn, q_rows)

    wlt = ss_ref[_LVL, 1].astype(jnp.float32)
    denom = jnp.maximum(wlt - 1.0, 1.0)
    Km = _mmT(mem_ref[0], wmk_ref[...]) + tpe_scr[...]
    Qp = _mmT(sq, wqy_ref[...])

    acc = jnp.zeros((NB, _WL), dtype=jnp.float32)
    for h in range(_H):
        sl = slice(h * _DH, (h + 1) * _DH)
        s2 = jax.lax.dot_general(Qp[:, sl], Km[:, sl],
                                 (((1,), (1,)), ((), ())),
                                 preferred_element_type=jnp.float32) * scale
        m2 = jnp.max(s2, axis=1, keepdims=True)
        e2 = jnp.exp(s2 - m2)
        acc = acc + e2 / jnp.sum(e2, axis=1, keepdims=True)
    attn_mean = acc * (1.0 / _H)
    trow = jax.lax.broadcasted_iota(jnp.int32, (1, _WL), 1).astype(jnp.float32) / denom
    com_t = jnp.sum(attn_mean * trow, axis=1, keepdims=True)

    note_pos = jax.lax.broadcasted_iota(jnp.int32, (NB, _ST), 1)
    comt_shift = jnp.concatenate(
        [jnp.zeros((1, 1), jnp.float32), com_t[:-1]], axis=0)
    comt_ref[0] = jnp.where(note_pos == 0, comt_shift, 0.0)

    sq_ref[0] = sq
    bio_ref[0] = bi3f.astype(jnp.int32)


def kernel(y, memory, spatial_shapes, level_start_index, bar_mask, input_ids,
           W_bar_q, W_bar_k, W_bar_v, W_bar_out, W_query, W_mem_k):
    B, S, D = y.shape
    NB = S // _ST
    M = memory.shape[1]

    bm_i = bar_mask.astype(jnp.int32)
    bmr = bm_i.reshape(B, S, 1)
    bm3 = bm_i.reshape(B, NB, _ST)
    idsr = input_ids.astype(jnp.int32).reshape(B, S, 1)
    lsi_i = level_start_index.astype(jnp.int32)
    ss_i = spatial_shapes.astype(jnp.int32)

    grid_spec = pltpu.PrefetchScalarGridSpec(
        num_scalar_prefetch=2,
        grid=(B,),
        in_specs=[
            pl.BlockSpec((1, S, D), lambda b, lsi, ss: (b, 0, 0)),
            pl.BlockSpec((1, S, 1), lambda b, lsi, ss: (b, 0, 0)),
            pl.BlockSpec((1, S, 1), lambda b, lsi, ss: (b, 0, 0)),
            pl.BlockSpec((1, NB, _ST), lambda b, lsi, ss: (b, 0, 0)),
            pl.BlockSpec((1, _WL, D),
                         lambda b, lsi, ss: (b, lsi[_LVL] // _WL, 0)),
            pl.BlockSpec((D, D), lambda b, lsi, ss: (0, 0)),
            pl.BlockSpec((D, D), lambda b, lsi, ss: (0, 0)),
            pl.BlockSpec((D, D), lambda b, lsi, ss: (0, 0)),
            pl.BlockSpec((D, D), lambda b, lsi, ss: (0, 0)),
            pl.BlockSpec((D, D), lambda b, lsi, ss: (0, 0)),
            pl.BlockSpec((D, D), lambda b, lsi, ss: (0, 0)),
        ],
        out_specs=(
            pl.BlockSpec((1, NB, _ST), lambda b, lsi, ss: (b, 0, 0)),
            pl.BlockSpec((1, NB, D), lambda b, lsi, ss: (b, 0, 0)),
            pl.BlockSpec((1, NB, _ST), lambda b, lsi, ss: (b, 0, 0)),
        ),
        scratch_shapes=[
            pltpu.VMEM((_ST, _D), jnp.float32),
            pltpu.VMEM((_WL, _D), jnp.float32),
        ],
    )
    comt, sq_all, bi_all = pl.pallas_call(
        _bar_kernel,
        grid_spec=grid_spec,
        out_shape=(
            jax.ShapeDtypeStruct((B, NB, _ST), jnp.float32),
            jax.ShapeDtypeStruct((B, NB, D), jnp.float32),
            jax.ShapeDtypeStruct((B, NB, _ST), jnp.int32),
        ),
    )(lsi_i, ss_i, y, bmr, idsr, bm3, memory,
      W_bar_q, W_bar_k, W_bar_v, W_bar_out, W_query, W_mem_k)

    com_t_all = comt.reshape(B, S)[..., None]

    sq_aug = jnp.concatenate(
        [jnp.zeros((1, D), jnp.float32), sq_all.reshape(B * NB, D)], axis=0)
    bi_aug = jnp.concatenate(
        [jnp.full((_ST,), -1, jnp.int32), bi_all.reshape(B * S)], axis=0)
    embed_flat = _sc_embed_scatter(B * NB, NB, D)(sq_aug, bi_aug)
    return com_t_all, embed_flat.reshape(B, S, D)

# --- scband reference (transcript-rebuilt; emitter-appended) ---
"""Pipeline reference for scband-bar-mamba-42812234006550 (READ-ONLY COPY).

The authoritative reference and input builder live on the scoring server;
editing this copy changes nothing except your own understanding.
"""

import math
import jax, jax.numpy as jnp
import numpy as np

D_MODEL = 512
N_HEADS = 8
ACTIVE_CA_LEVEL = 2
BAR_STRIDE = 64
LEVEL_WIDTH = 256


def _sinusoidal_pe(position, scale=1):
    half_d = D_MODEL // 2
    pos = position.astype(jnp.float32) * scale
    dim = jnp.arange(half_d, dtype=jnp.float32)
    inv_freq = 1.0 / (10000.0 ** (dim / half_d))
    angles = pos[:, None] * inv_freq[None, :]
    return jnp.concatenate([jnp.sin(angles), jnp.cos(angles)], axis=-1)


def setup_inputs(seed: int = 0):
    key = jax.random.key(seed)
    ks = jax.random.split(key, 10)
    B, S, D = 2, 2048, D_MODEL
    levels = np.array([[1, 1024], [1, 512], [1, 256], [1, 128], [1, 64], [1, 32]], dtype=np.int64)
    sizes = levels[:, 0] * levels[:, 1]
    lsi = np.zeros(6, dtype=np.int64)
    lsi[1:] = np.cumsum(sizes)[:-1]
    M = int(sizes.sum())
    y = jax.random.normal(ks[0], (B, S, D), dtype=jnp.float32)
    memory = jax.random.normal(ks[1], (B, M, D), dtype=jnp.float32)
    bar_mask = jnp.tile((jnp.arange(S) % 64 == 0)[None, :], (B, 1))
    input_ids = jax.random.randint(ks[2], (B, S), 2, 1000)
    sc = 1.0 / math.sqrt(D)
    W_bar_q = jax.random.normal(ks[3], (D, D), dtype=jnp.float32) * sc
    W_bar_k = jax.random.normal(ks[4], (D, D), dtype=jnp.float32) * sc
    W_bar_v = jax.random.normal(ks[5], (D, D), dtype=jnp.float32) * sc
    W_bar_out = jax.random.normal(ks[6], (D, D), dtype=jnp.float32) * sc
    W_query = jax.random.normal(ks[7], (D, D), dtype=jnp.float32) * sc
    W_mem_k = jax.random.normal(ks[8], (D, D), dtype=jnp.float32) * sc
    return {"y": y, "memory": memory, "spatial_shapes": jnp.asarray(levels), "level_start_index": jnp.asarray(lsi), "bar_mask": bar_mask, "input_ids": input_ids, "W_bar_q": W_bar_q, "W_bar_k": W_bar_k, "W_bar_v": W_bar_v, "W_bar_out": W_bar_out, "W_query": W_query, "W_mem_k": W_mem_k}


def _forward(y, memory, W_bar_q, W_bar_k, W_bar_v, W_bar_out, W_query, W_mem_k, bar_mask, bar_index, ids, ss, lsi):
    B, S, D = y.shape
    H = N_HEADS
    d_h = D // H
    lvl = ACTIVE_CA_LEVEL
    stride = BAR_STRIDE
    W_l = LEVEL_WIDTH
    W_l_t = ss[lvl, 1]
    start = lsi[lvl]
    bar_positions = np.arange(0, S, stride)
    N_b = int(bar_positions.shape[0])
    n_notes = stride - 1
    pe = jnp.stack([_sinusoidal_pe(bar_index[b].astype(jnp.float32)) for b in range(B)], axis=0)
    y_pe = y + pe.astype(y.dtype)
    memory_lvl = jax.lax.dynamic_slice_in_dim(memory, start, W_l, axis=1)
    time_norm = jnp.arange(W_l, dtype=jnp.float32) / jnp.maximum(W_l_t - 1, 1)
    time_pe = _sinusoidal_pe(time_norm, scale=W_l_t)
    K_mem = memory_lvl @ W_mem_k.T + time_pe[None, :, :].astype(y.dtype)
    com_t_all = jnp.zeros((B, S, 1), dtype=y.dtype)
    summary_embed_dense = jnp.zeros((B, S, D), dtype=y.dtype)
    for b in range(B):
        bi = bar_index[b]
        sq_list = []
        for bar_pos in bar_positions.tolist():
            bar_n = bi[bar_pos]
            note_slice = slice(bar_pos + 1, bar_pos + stride)
            own = (bi[note_slice] == bar_n) & (~bar_mask[b, note_slice]) & (ids[b, note_slice] > 1)
            q_bar = y_pe[b, bar_pos][None, :] @ W_bar_q.T
            own_notes = y_pe[b, note_slice]
            K_note = own_notes @ W_bar_k.T
            V_note = own_notes @ W_bar_v.T
            q_h = q_bar.reshape(1, H, d_h).transpose(1, 0, 2)
            k_h = K_note.reshape(n_notes, H, d_h).transpose(1, 0, 2)
            v_h = V_note.reshape(n_notes, H, d_h).transpose(1, 0, 2)
            sc = jnp.matmul(q_h, k_h.transpose(0, 2, 1)) / math.sqrt(d_h)
            sc = jnp.where(own[None, None, :], sc, -jnp.inf)
            aw = jax.nn.softmax(sc, axis=-1)
            ctx = jnp.matmul(aw, v_h).transpose(1, 0, 2).reshape(1, D)
            sq_attn = (ctx @ W_bar_out.T)[0]
            sq_list.append(jnp.where(jnp.any(own), sq_attn, y_pe[b, bar_pos]))
        summary_queries = jnp.stack(sq_list, axis=0)
        Q_proj = summary_queries @ W_query.T
        Q_h = Q_proj.reshape(N_b, H, d_h)
        K_b_h = jnp.broadcast_to(K_mem[b][None, :, :], (N_b, W_l, D)).reshape(N_b, W_l, H, d_h).transpose(0, 2, 1, 3)
        scores = jnp.einsum('nhd,nhtd->nht', Q_h, K_b_h) / math.sqrt(d_h)
        attn_w = jax.nn.softmax(scores, axis=-1).mean(axis=1)
        com_t_b = (attn_w * time_norm[None, :]).sum(axis=-1, keepdims=True)
        com_t_all = com_t_all.at[b, bar_positions[1:]].set(com_t_b[:-1].astype(y.dtype))
        for i in range(N_b - 1):
            blk = slice((i + 1) * stride, (i + 2) * stride)
            tok_mask = bi[blk] == bi[bar_positions[i]] + 1
            cur = summary_embed_dense[b, blk]
            summary_embed_dense = summary_embed_dense.at[b, blk].set(jnp.where(tok_mask[:, None], summary_queries[i][None, :], cur))
    return com_t_all, summary_embed_dense


def reference(y, memory, spatial_shapes, level_start_index, bar_mask, input_ids, W_bar_q, W_bar_k, W_bar_v, W_bar_out, W_query, W_mem_k):
    bar_mask_b = bar_mask.astype(bool)
    bar_index = jnp.cumsum(bar_mask_b.astype(jnp.int32), axis=1)
    return _forward(y, memory, W_bar_q, W_bar_k, W_bar_v, W_bar_out, W_query, W_mem_k, bar_mask_b, bar_index, input_ids, spatial_shapes, level_start_index)

if __name__ == "__main__":
    import jax
    _d = setup_inputs()
    print(jax.jit(kernel)(*tuple(_d.values())))

</pallas_src>

<mosaic_0001>
#map = affine_map<(d0, d1) -> (0, 0)>
#map1 = affine_map<(d0, d1) -> (0)>
module attributes {stable_mosaic.version = 14 : i64} {
  func.func @k(%arg0: i32, %arg1: i32, %arg2: memref<65x512xf32, #tpu.memory_space<hbm>>, %arg3: memref<4160xi32, #tpu.memory_space<hbm>>, %arg4: memref<4096x512xf32, #tpu.memory_space<hbm>>, %arg5: memref<128xi32, #tpu.memory_space<vmem>>, %arg6: memref<64xi32, #tpu.memory_space<vmem>>, %arg7: memref<16xi32, #tpu.memory_space<vmem>>, %arg8: memref<16xi32, #tpu.memory_space<vmem>>, %arg9: memref<64x512xf32, #tpu.memory_space<vmem>>, %arg10: memref<!tpu.dma_semaphore, #tpu.memory_space<semaphore_mem>>) attributes {dimension_semantics = [#tpu.dimension_semantics<core_parallel>, #tpu.dimension_semantics<subcore_parallel>], iteration_bounds = array<i64: 2, 16>, scalar_prefetch = 0 : i64, scratch_operands = 6 : i64, tpu.core_type = #tpu.core_type<sc_vector_subcore>, window_params = [{transform_indices = #map}, {transform_indices = #map1}, {transform_indices = #map}]} {
    %mul3A = arith.constant 2 : i32
    %mul3A_0 = arith.muli %arg1, %mul3A : i32
    %add3A = arith.addi %mul3A_0, %arg0 : i32
    %mul3A_1 = arith.constant 2 : i32
    %mul3A_2 = arith.muli %add3A, %mul3A_1 : i32
    %add3A_3 = arith.constant 0 : i32
    %add3A_4 = arith.addi %mul3A_2, %add3A_3 : i32
    %mul3A_5 = arith.constant 64 : i32
    %mul3A_6 = arith.muli %add3A_4, %mul3A_5 : i32
    "tpu.region"() ({
      %run_scoped3A = tpu.sem_alloc : memref<!tpu.dma_semaphore, #tpu.memory_space<semaphore_mem>>
      %dma_start3A_234 = tpu.memref_slice %arg3[%mul3A_6] : memref<4160xi32, #tpu.memory_space<hbm>> -> memref<128xi32, #tpu.memory_space<hbm>>
      %dma_start3A_235 = tpu.memref_slice %arg3[%mul3A_6] : memref<4160xi32, #tpu.memory_space<hbm>> -> memref<128xi32, #tpu.memory_space<hbm>>
      tpu.enqueue_dma source(%dma_start3A_235 : memref<128xi32, #tpu.memory_space<hbm>>) target(%arg5 : memref<128xi32, #tpu.memory_space<vmem>>) target_semaphore(%run_scoped3A : memref<!tpu.dma_semaphore, #tpu.memory_space<semaphore_mem>>)
      %dma_wait3A_236 = tpu.memref_slice %arg3[%mul3A_6] : memref<4160xi32, #tpu.memory_space<hbm>> -> memref<128xi32, #tpu.memory_space<hbm>>
      %dma_wait3A_237 = tpu.memref_slice %arg3[%mul3A_6] : memref<4160xi32, #tpu.memory_space<hbm>> -> memref<128xi32, #tpu.memory_space<hbm>>
      tpu.wait_dma2 semaphore(%run_scoped3A : memref<!tpu.dma_semaphore, #tpu.memory_space<semaphore_mem>>) src(%dma_wait3A_237 : memref<128xi32, #tpu.memory_space<hbm>>) dst(%arg5 : memref<128xi32, #tpu.memory_space<vmem>>)
      tpu.yield
    }) : () -> ()
    %broadcast_in_dim3A = arith.constant 0 : i32
    %broadcast_in_dim3A_7 = vector.broadcast %broadcast_in_dim3A : i32 to vector<16xi32>
    %add3A_8 = vector.broadcast %mul3A_6 : i32 to vector<16xi32>
    %add3A_9 = arith.addi %broadcast_in_dim3A_7, %add3A_8 : vector<16xi32>
    %swap3A = arith.constant 0 : index
    %swap3A_10 = tpu.vector_load %arg7[%swap3A] {strides = array<i32>} : memref<16xi32, #tpu.memory_space<vmem>>, vector<16xi32>,
    %swap3A_11 = vector.shape_cast %swap3A_10 : vector<16xi32> to vector<16xi32>
    %swap3A_12 = vector.shape_cast %add3A_9 : vector<16xi32> to vector<16xi32>
    tpu.vector_store %arg7[%swap3A], %swap3A_12 {strides = array<i32>} : memref<16xi32, #tpu.memory_space<vmem>>, vector<16xi32>,
    %dma_start3A = arith.constant 0 : i32
    %dma_start3A_13 = tpu.memref_slice %arg3[%dma_start3A] : memref<4160xi32, #tpu.memory_space<hbm>> -> memref<4160xi32, #tpu.memory_space<hbm>>
    tpu.enqueue_indirect_dma source(%dma_start3A_13 : memref<4160xi32, #tpu.memory_space<hbm>>) target(%arg8 : memref<16xi32, #tpu.memory_space<vmem>>) offsets(%arg7 : memref<16xi32, #tpu.memory_space<vmem>>) semaphore(%arg10 : memref<!tpu.dma_semaphore, #tpu.memory_space<semaphore_mem>>)
    %dma_wait3A = arith.constant 0 : i32
    %dma_wait3A_14 = tpu.memref_slice %arg3[%dma_wait3A] : memref<4160xi32, #tpu.memory_space<hbm>> -> memref<4160xi32, #tpu.memory_space<hbm>>
    tpu.wait_indirect_dma semaphore(%arg10 : memref<!tpu.dma_semaphore, #tpu.memory_space<semaphore_mem>>) src(%dma_wait3A_14 : memref<4160xi32, #tpu.memory_space<hbm>>) dst(%arg8 : memref<16xi32, #tpu.memory_space<vmem>>)
    %get3A = arith.constant 0 : index
    %get3A_15 = tpu.vector_load %arg8[%get3A] {strides = array<i32>} : memref<16xi32, #tpu.memory_space<vmem>>, vector<16xi32>,
    %get3A_16 = vector.shape_cast %get3A_15 : vector<16xi32> to vector<16xi32>
    %add3A_17 = arith.constant 1 : i32
    %add3A_18 = vector.broadcast %add3A_17 : i32 to vector<16xi32>
    %add3A_19 = arith.addi %get3A_16, %add3A_18 : vector<16xi32>
    %jit3A = arith.constant 32 : i32
    %eq3A = arith.constant 0 : i32
    %eq3A_20 = arith.cmpi eq, %jit3A, %eq3A : i32
    %jit3A_21 = arith.constant 1 : i32
    %select_n3A = arith.select %eq3A_20, %jit3A_21, %jit3A : i32
    %rem3A = arith.remsi %add3A_4, %select_n3A : i32
    %ne3A = arith.constant 0 : i32
    %ne3A_22 = arith.cmpi ne, %rem3A, %ne3A : i32
    %lt3A = arith.constant 0 : i32
    %lt3A_23 = arith.cmpi slt, %rem3A, %lt3A : i32
    %lt3A_24 = arith.constant 0 : i32
    %lt3A_25 = arith.cmpi slt, %select_n3A, %lt3A_24 : i32
    %ne3A_26 = arith.xori %lt3A_23, %lt3A_25 : i1
    %and3A = arith.andi %ne3A_26, %ne3A_22 : i1
    %add3A_27 = arith.addi %rem3A, %select_n3A : i32
    %select_n3A_28 = arith.select %and3A, %add3A_27, %rem3A : i32
    %min3A = arith.constant 1 : i32
    %min3A_29 = arith.minsi %select_n3A_28, %min3A : i32
    %get3A_30 = arith.constant 64 : index
    %get3A_31 = tpu.vector_load %arg5[%get3A_30] {strides = array<i32>} : memref<128xi32, #tpu.memory_space<vmem>>, vector<16xi32>,
    %get3A_32 = vector.shape_cast %get3A_31 : vector<16xi32> to vector<16xi32>
    %sub3A = arith.subi %get3A_32, %add3A_19 : vector<16xi32>
    %abs3A = math.absi %sub3A : vector<16xi32>
    %min3A_33 = arith.constant 1 : i32
    %min3A_34 = vector.broadcast %min3A_33 : i32 to vector<16xi32>
    %min3A_35 = arith.minsi %abs3A, %min3A_34 : vector<16xi32>
    %sub3A_36 = arith.constant 1 : i32
    %sub3A_37 = vector.broadcast %sub3A_36 : i32 to vector<16xi32>
    %sub3A_38 = arith.subi %sub3A_37, %min3A_35 : vector<16xi32>
    %mul3A_39 = vector.broadcast %min3A_29 : i32 to vector<16xi32>
    %mul3A_40 = arith.muli %sub3A_38, %mul3A_39 : vector<16xi32>
    %mul3A_41 = vector.broadcast %add3A_4 : i32 to vector<16xi32>
    %mul3A_42 = arith.muli %mul3A_40, %mul3A_41 : vector<16xi32>
    %swap3A_43 = arith.constant 0 : index
    %swap3A_44 = tpu.vector_load %arg6[%swap3A_43] {strides = array<i32>} : memref<64xi32, #tpu.memory_space<vmem>>, vector<16xi32>,
    %swap3A_45 = vector.shape_cast %swap3A_44 : vector<16xi32> to vector<16xi32>
    %swap3A_46 = vector.shape_cast %mul3A_42 : vector<16xi32> to vector<16xi32>
    tpu.vector_store %arg6[%swap3A_43], %swap3A_46 {strides = array<i32>} : memref<64xi32, #tpu.memory_space<vmem>>, vector<16xi32>,
    %get3A_47 = arith.constant 80 : index
    %get3A_48 = tpu.vector_load %arg5[%get3A_47] {strides = array<i32>} : memref<128xi32, #tpu.memory_space<vmem>>, vector<16xi32>,
    %get3A_49 = vector.shape_cast %get3A_48 : vector<16xi32> to vector<16xi32>
    %sub3A_50 = arith.subi %get3A_49, %add3A_19 : vector<16xi32>
    %abs3A_51 = math.absi %sub3A_50 : vector<16xi32>
    %min3A_52 = arith.constant 1 : i32
    %min3A_53 = vector.broadcast %min3A_52 : i32 to vector<16xi32>
    %min3A_54 = arith.minsi %abs3A_51, %min3A_53 : vector<16xi32>
    %sub3A_55 = arith.constant 1 : i32
    %sub3A_56 = vector.broadcast %sub3A_55 : i32 to vector<16xi32>
    %sub3A_57 = arith.subi %sub3A_56, %min3A_54 : vector<16xi32>
    %mul3A_58 = vector.broadcast %min3A_29 : i32 to vector<16xi32>
    %mul3A_59 = arith.muli %sub3A_57, %mul3A_58 : vector<16xi32>
    %mul3A_60 = vector.broadcast %add3A_4 : i32 to vector<16xi32>
    %mul3A_61 = arith.muli %mul3A_59, %mul3A_60 : vector<16xi32>
    %swap3A_62 = arith.constant 16 : index
    %swap3A_63 = tpu.vector_load %arg6[%swap3A_62] {strides = array<i32>} : memref<64xi32, #tpu.memory_space<vmem>>, vector<16xi32>,
    %swap3A_64 = vector.shape_cast %swap3A_63 : vector<16xi32> to vector<16xi32>
    %swap3A_65 = vector.shape_cast %mul3A_61 : vector<16xi32> to vector<16xi32>
    tpu.vector_store %arg6[%swap3A_62], %swap3A_65 {strides = array<i32>} : memref<64xi32, #tpu.memory_space<vmem>>, vector<16xi32>,
    %get3A_66 = arith.constant 96 : index
    %get3A_67 = tpu.vector_load %arg5[%get3A_66] {strides = array<i32>} : memref<128xi32, #tpu.memory_space<vmem>>, vector<16xi32>,
    %get3A_68 = vector.shape_cast %get3A_67 : vector<16xi32> to vector<16xi32>
    %sub3A_69 = arith.subi %get3A_68, %add3A_19 : vector<16xi32>
    %abs3A_70 = math.absi %sub3A_69 : vector<16xi32>
    %min3A_71 = arith.constant 1 : i32
    %min3A_72 = vector.broadcast %min3A_71 : i32 to vector<16xi32>
    %min3A_73 = arith.minsi %abs3A_70, %min3A_72 : vector<16xi32>
    %sub3A_74 = arith.constant 1 : i32
    %sub3A_75 = vector.broadcast %sub3A_74 : i32 to vector<16xi32>
    %sub3A_76 = arith.subi %sub3A_75, %min3A_73 : vector<16xi32>
    %mul3A_77 = vector.broadcast %min3A_29 : i32 to vector<16xi32>
    %mul3A_78 = arith.muli %sub3A_76, %mul3A_77 : vector<16xi32>
    %mul3A_79 = vector.broadcast %add3A_4 : i32 to vector<16xi32>
    %mul3A_80 = arith.muli %mul3A_78, %mul3A_79 : vector<16xi32>
    %swap3A_81 = arith.constant 32 : index
    %swap3A_82 = tpu.vector_load %arg6[%swap3A_81] {strides = array<i32>} : memref<64xi32, #tpu.memory_space<vmem>>, vector<16xi32>,
    %swap3A_83 = vector.shape_cast %swap3A_82 : vector<16xi32> to vector<16xi32>
    %swap3A_84 = vector.shape_cast %mul3A_80 : vector<16xi32> to vector<16xi32>
    tpu.vector_store %arg6[%swap3A_81], %swap3A_84 {strides = array<i32>} : memref<64xi32, #tpu.memory_space<vmem>>, vector<16xi32>,
    %get3A_85 = arith.constant 112 : index
    %get3A_86 = tpu.vector_load %arg5[%get3A_85] {strides = array<i32>} : memref<128xi32, #tpu.memory_space<vmem>>, vector<16xi32>,
    %get3A_87 = vector.shape_cast %get3A_86 : vector<16xi32> to vector<16xi32>
    %sub3A_88 = arith.subi %get3A_87, %add3A_19 : vector<16xi32>
    %abs3A_89 = math.absi %sub3A_88 : vector<16xi32>
    %min3A_90 = arith.constant 1 : i32
    %min3A_91 = vector.broadcast %min3A_90 : i32 to vector<16xi32>
    %min3A_92 = arith.minsi %abs3A_89, %min3A_91 : vector<16xi32>
    %sub3A_93 = arith.constant 1 : i32
    %sub3A_94 = vector.broadcast %sub3A_93 : i32 to vector<16xi32>
    %sub3A_95 = arith.subi %sub3A_94, %min3A_92 : vector<16xi32>
    %mul3A_96 = vector.broadcast %min3A_29 : i32 to vector<16xi32>
    %mul3A_97 = arith.muli %sub3A_95, %mul3A_96 : vector<16xi32>
    %mul3A_98 = vector.broadcast %add3A_4 : i32 to vector<16xi32>
    %mul3A_99 = arith.muli %mul3A_97, %mul3A_98 : vector<16xi32>
    %swap3A_100 = arith.constant 48 : index
    %swap3A_101 = tpu.vector_load %arg6[%swap3A_100] {strides = array<i32>} : memref<64xi32, #tpu.memory_space<vmem>>, vector<16xi32>,
    %swap3A_102 = vector.shape_cast %swap3A_101 : vector<16xi32> to vector<16xi32>
    %swap3A_103 = vector.shape_cast %mul3A_99 : vector<16xi32> to vector<16xi32>
    tpu.vector_store %arg6[%swap3A_100], %swap3A_103 {strides = array<i32>} : memref<64xi32, #tpu.memory_space<vmem>>, vector<16xi32>,
    %dma_start3A_104 = arith.constant 0 : i32
    %dma_start3A_105 = arith.constant 0 : i32
    %dma_start3A_106 = tpu.memref_slice %arg2[%dma_start3A_104, %dma_start3A_105] : memref<65x512xf32, #tpu.memory_space<hbm>> -> memref<65x512xf32, #tpu.memory_space<hbm>>
    tpu.enqueue_indirect_dma source(%dma_start3A_106 : memref<65x512xf32, #tpu.memory_space<hbm>>) target(%arg9 : memref<64x512xf32, #tpu.memory_space<vmem>>) offsets(%arg6 : memref<64xi32, #tpu.memory_space<vmem>>) semaphore(%arg10 : memref<!tpu.dma_semaphore, #tpu.memory_space<semaphore_mem>>)
    %dma_wait3A_107 = arith.constant 0 : i32
    %dma_wait3A_108 = arith.constant 0 : i32
    %dma_wait3A_109 = tpu.memref_slice %arg2[%dma_wait3A_107, %dma_wait3A_108] : memref<65x512xf32, #tpu.memory_space<hbm>> -> memref<65x512xf32, #tpu.memory_space<hbm>>
    tpu.wait_indirect_dma semaphore(%arg10 : memref<!tpu.dma_semaphore, #tpu.memory_space<semaphore_mem>>) src(%dma_wait3A_109 : memref<65x512xf32, #tpu.memory_space<hbm>>) dst(%arg9 : memref<64x512xf32, #tpu.memory_space<vmem>>)
    "tpu.region"() ({
      %run_scoped3A = tpu.sem_alloc : memref<!tpu.dma_semaphore, #tpu.memory_space<semaphore_mem>>
      %dma_start3A_234 = arith.constant 0 : i32
      %dma_start3A_235 = tpu.memref_slice %arg4[%mul3A_6, %dma_start3A_234] : memref<4096x512xf32, #tpu.memory_space<hbm>> -> memref<64x512xf32, #tpu.memory_space<hbm>>
      %dma_start3A_236 = arith.constant 0 : i32
      %dma_start3A_237 = tpu.memref_slice %arg4[%mul3A_6, %dma_start3A_236] : memref<4096x512xf32, #tpu.memory_space<hbm>> -> memref<64x512xf32, #tpu.memory_space<hbm>>
      tpu.enqueue_dma source(%arg9 : memref<64x512xf32, #tpu.memory_space<vmem>>) target(%dma_start3A_237 : memref<64x512xf32, #tpu.memory_space<hbm>>) target_semaphore(%run_scoped3A : memref<!tpu.dma_semaphore, #tpu.memory_space<semaphore_mem>>)
      %dma_wait3A_238 = arith.constant 0 : i32
      %dma_wait3A_239 = tpu.memref_slice %arg4[%mul3A_6, %dma_wait3A_238] : memref<4096x512xf32, #tpu.memory_space<hbm>> -> memref<64x512xf32, #tpu.memory_space<hbm>>
      %dma_wait3A_240 = arith.constant 0 : i32
      %dma_wait3A_241 = tpu.memref_slice %arg4[%mul3A_6, %dma_wait3A_240] : memref<4096x512xf32, #tpu.memory_space<hbm>> -> memref<64x512xf32, #tpu.memory_space<hbm>>
      tpu.wait_dma2 semaphore(%run_scoped3A : memref<!tpu.dma_semaphore, #tpu.memory_space<semaphore_mem>>) src(%arg9 : memref<64x512xf32, #tpu.memory_space<vmem>>) dst(%dma_wait3A_241 : memref<64x512xf32, #tpu.memory_space<hbm>>)
      tpu.yield
    }) : () -> ()
    %mul3A_110 = arith.constant 2 : i32
    %mul3A_111 = arith.muli %add3A, %mul3A_110 : i32
    %add3A_112 = arith.constant 1 : i32
    %add3A_113 = arith.addi %mul3A_111, %add3A_112 : i32
    %mul3A_114 = arith.constant 64 : i32
    %mul3A_115 = arith.muli %add3A_113, %mul3A_114 : i32
    "tpu.region"() ({
      %run_scoped3A = tpu.sem_alloc : memref<!tpu.dma_semaphore, #tpu.memory_space<semaphore_mem>>
      %dma_start3A_234 = tpu.memref_slice %arg3[%mul3A_115] : memref<4160xi32, #tpu.memory_space<hbm>> -> memref<128xi32, #tpu.memory_space<hbm>>
      %dma_start3A_235 = tpu.memref_slice %arg3[%mul3A_115] : memref<4160xi32, #tpu.memory_space<hbm>> -> memref<128xi32, #tpu.memory_space<hbm>>
      tpu.enqueue_dma source(%dma_start3A_235 : memref<128xi32, #tpu.memory_space<hbm>>) target(%arg5 : memref<128xi32, #tpu.memory_space<vmem>>) target_semaphore(%run_scoped3A : memref<!tpu.dma_semaphore, #tpu.memory_space<semaphore_mem>>)
      %dma_wait3A_236 = tpu.memref_slice %arg3[%mul3A_115] : memref<4160xi32, #tpu.memory_space<hbm>> -> memref<128xi32, #tpu.memory_space<hbm>>
      %dma_wait3A_237 = tpu.memref_slice %arg3[%mul3A_115] : memref<4160xi32, #tpu.memory_space<hbm>> -> memref<128xi32, #tpu.memory_space<hbm>>
      tpu.wait_dma2 semaphore(%run_scoped3A : memref<!tpu.dma_semaphore, #tpu.memory_space<semaphore_mem>>) src(%dma_wait3A_237 : memref<128xi32, #tpu.memory_space<hbm>>) dst(%arg5 : memref<128xi32, #tpu.memory_space<vmem>>)
      tpu.yield
    }) : () -> ()
    %broadcast_in_dim3A_116 = arith.constant 0 : i32
    %broadcast_in_dim3A_117 = vector.broadcast %broadcast_in_dim3A_116 : i32 to vector<16xi32>
    %add3A_118 = vector.broadcast %mul3A_115 : i32 to vector<16xi32>
    %add3A_119 = arith.addi %broadcast_in_dim3A_117, %add3A_118 : vector<16xi32>
    %swap3A_120 = arith.constant 0 : index
    %swap3A_121 = tpu.vector_load %arg7[%swap3A_120] {strides = array<i32>} : memref<16xi32, #tpu.memory_space<vmem>>, vector<16xi32>,
    %swap3A_122 = vector.shape_cast %swap3A_121 : vector<16xi32> to vector<16xi32>
    %swap3A_123 = vector.shape_cast %add3A_119 : vector<16xi32> to vector<16xi32>
    tpu.vector_store %arg7[%swap3A_120], %swap3A_123 {strides = array<i32>} : memref<16xi32, #tpu.memory_space<vmem>>, vector<16xi32>,
    %dma_start3A_124 = arith.constant 0 : i32
    %dma_start3A_125 = tpu.memref_slice %arg3[%dma_start3A_124] : memref<4160xi32, #tpu.memory_space<hbm>> -> memref<4160xi32, #tpu.memory_space<hbm>>
    tpu.enqueue_indirect_dma source(%dma_start3A_125 : memref<4160xi32, #tpu.memory_space<hbm>>) target(%arg8 : memref<16xi32, #tpu.memory_space<vmem>>) offsets(%arg7 : memref<16xi32, #tpu.memory_space<vmem>>) semaphore(%arg10 : memref<!tpu.dma_semaphore, #tpu.memory_space<semaphore_mem>>)
    %dma_wait3A_126 = arith.constant 0 : i32
    %dma_wait3A_127 = tpu.memref_slice %arg3[%dma_wait3A_126] : memref<4160xi32, #tpu.memory_space<hbm>> -> memref<4160xi32, #tpu.memory_space<hbm>>
    tpu.wait_indirect_dma semaphore(%arg10 : memref<!tpu.dma_semaphore, #tpu.memory_space<semaphore_mem>>) src(%dma_wait3A_127 : memref<4160xi32, #tpu.memory_space<hbm>>) dst(%arg8 : memref<16xi32, #tpu.memory_space<vmem>>)
    %get3A_128 = arith.constant 0 : index
    %get3A_129 = tpu.vector_load %arg8[%get3A_128] {strides = array<i32>} : memref<16xi32, #tpu.memory_space<vmem>>, vector<16xi32>,
    %get3A_130 = vector.shape_cast %get3A_129 : vector<16xi32> to vector<16xi32>
    %add3A_131 = arith.constant 1 : i32
    %add3A_132 = vector.broadcast %add3A_131 : i32 to vector<16xi32>
    %add3A_133 = arith.addi %get3A_130, %add3A_132 : vector<16xi32>
    %jit3A_134 = arith.constant 32 : i32
    %eq3A_135 = arith.constant 0 : i32
    %eq3A_136 = arith.cmpi eq, %jit3A_134, %eq3A_135 : i32
    %jit3A_137 = arith.constant 1 : i32
    %select_n3A_138 = arith.select %eq3A_136, %jit3A_137, %jit3A_134 : i32
    %rem3A_139 = arith.remsi %add3A_113, %select_n3A_138 : i32
    %ne3A_140 = arith.constant 0 : i32
    %ne3A_141 = arith.cmpi ne, %rem3A_139, %ne3A_140 : i32
    %lt3A_142 = arith.constant 0 : i32
    %lt3A_143 = arith.cmpi slt, %rem3A_139, %lt3A_142 : i32
    %lt3A_144 = arith.constant 0 : i32
    %lt3A_145 = arith.cmpi slt, %select_n3A_138, %lt3A_144 : i32
    %ne3A_146 = arith.xori %lt3A_143, %lt3A_145 : i1
    %and3A_147 = arith.andi %ne3A_146, %ne3A_141 : i1
    %add3A_148 = arith.addi %rem3A_139, %select_n3A_138 : i32
    %select_n3A_149 = arith.select %and3A_147, %add3A_148, %rem3A_139 : i32
    %min3A_150 = arith.constant 1 : i32
    %min3A_151 = arith.minsi %select_n3A_149, %min3A_150 : i32
    %get3A_152 = arith.constant 64 : index
    %get3A_153 = tpu.vector_load %arg5[%get3A_152] {strides = array<i32>} : memref<128xi32, #tpu.memory_space<vmem>>, vector<16xi32>,
    %get3A_154 = vector.shape_cast %get3A_153 : vector<16xi32> to vector<16xi32>
    %sub3A_155 = arith.subi %get3A_154, %add3A_133 : vector<16xi32>
    %abs3A_156 = math.absi %sub3A_155 : vector<16xi32>
    %min3A_157 = arith.constant 1 : i32
    %min3A_158 = vector.broadcast %min3A_157 : i32 to vector<16xi32>
    %min3A_159 = arith.minsi %abs3A_156, %min3A_158 : vector<16xi32>
    %sub3A_160 = arith.constant 1 : i32
    %sub3A_161 = vector.broadcast %sub3A_160 : i32 to vector<16xi32>
    %sub3A_162 = arith.subi %sub3A_161, %min3A_159 : vector<16xi32>
    %mul3A_163 = vector.broadcast %min3A_151 : i32 to vector<16xi32>
    %mul3A_164 = arith.muli %sub3A_162, %mul3A_163 : vector<16xi32>
    %mul3A_165 = vector.broadcast %add3A_113 : i32 to vector<16xi32>
    %mul3A_166 = arith.muli %mul3A_164, %mul3A_165 : vector<16xi32>
    %swap3A_167 = arith.constant 0 : index
    %swap3A_168 = tpu.vector_load %arg6[%swap3A_167] {strides = array<i32>} : memref<64xi32, #tpu.memory_space<vmem>>, vector<16xi32>,
    %swap3A_169 = vector.shape_cast %swap3A_168 : vector<16xi32> to vector<16xi32>
    %swap3A_170 = vector.shape_cast %mul3A_166 : vector<16xi32> to vector<16xi32>
    tpu.vector_store %arg6[%swap3A_167], %swap3A_170 {strides = array<i32>} : memref<64xi32, #tpu.memory_space<vmem>>, vector<16xi32>,
    %get3A_171 = arith.constant 80 : index
    %get3A_172 = tpu.vector_load %arg5[%get3A_171] {strides = array<i32>} : memref<128xi32, #tpu.memory_space<vmem>>, vector<16xi32>,
    %get3A_173 = vector.shape_cast %get3A_172 : vector<16xi32> to vector<16xi32>
    %sub3A_174 = arith.subi %get3A_173, %add3A_133 : vector<16xi32>
    %abs3A_175 = math.absi %sub3A_174 : vector<16xi32>
    %min3A_176 = arith.constant 1 : i32
    %min3A_177 = vector.broadcast %min3A_176 : i32 to vector<16xi32>
    %min3A_178 = arith.minsi %abs3A_175, %min3A_177 : vector<16xi32>
    %sub3A_179 = arith.constant 1 : i32
    %sub3A_180 = vector.broadcast %sub3A_179 : i32 to vector<16xi32>
    %sub3A_181 = arith.subi %sub3A_180, %min3A_178 : vector<16xi32>
    %mul3A_182 = vector.broadcast %min3A_151 : i32 to vector<16xi32>
    %mul3A_183 = arith.muli %sub3A_181, %mul3A_182 : vector<16xi32>
    %mul3A_184 = vector.broadcast %add3A_113 : i32 to vector<16xi32>
    %mul3A_185 = arith.muli %mul3A_183, %mul3A_184 : vector<16xi32>
    %swap3A_186 = arith.constant 16 : index
    %swap3A_187 = tpu.vector_load %arg6[%swap3A_186] {strides = array<i32>} : memref<64xi32, #tpu.memory_space<vmem>>, vector<16xi32>,
    %swap3A_188 = vector.shape_cast %swap3A_187 : vector<16xi32> to vector<16xi32>
    %swap3A_189 = vector.shape_cast %mul3A_185 : vector<16xi32> to vector<16xi32>
    tpu.vector_store %arg6[%swap3A_186], %swap3A_189 {strides = array<i32>} : memref<64xi32, #tpu.memory_space<vmem>>, vector<16xi32>,
    %get3A_190 = arith.constant 96 : index
    %get3A_191 = tpu.vector_load %arg5[%get3A_190] {strides = array<i32>} : memref<128xi32, #tpu.memory_space<vmem>>, vector<16xi32>,
    %get3A_192 = vector.shape_cast %get3A_191 : vector<16xi32> to vector<16xi32>
    %sub3A_193 = arith.subi %get3A_192, %add3A_133 : vector<16xi32>
    %abs3A_194 = math.absi %sub3A_193 : vector<16xi32>
    %min3A_195 = arith.constant 1 : i32
    %min3A_196 = vector.broadcast %min3A_195 : i32 to vector<16xi32>
    %min3A_197 = arith.minsi %abs3A_194, %min3A_196 : vector<16xi32>
    %sub3A_198 = arith.constant 1 : i32
    %sub3A_199 = vector.broadcast %sub3A_198 : i32 to vector<16xi32>
    %sub3A_200 = arith.subi %sub3A_199, %min3A_197 : vector<16xi32>
    %mul3A_201 = vector.broadcast %min3A_151 : i32 to vector<16xi32>
    %mul3A_202 = arith.muli %sub3A_200, %mul3A_201 : vector<16xi32>
    %mul3A_203 = vector.broadcast %add3A_113 : i32 to vector<16xi32>
    %mul3A_204 = arith.muli %mul3A_202, %mul3A_203 : vector<16xi32>
    %swap3A_205 = arith.constant 32 : index
    %swap3A_206 = tpu.vector_load %arg6[%swap3A_205] {strides = array<i32>} : memref<64xi32, #tpu.memory_space<vmem>>, vector<16xi32>,
    %swap3A_207 = vector.shape_cast %swap3A_206 : vector<16xi32> to vector<16xi32>
    %swap3A_208 = vector.shape_cast %mul3A_204 : vector<16xi32> to vector<16xi32>
    tpu.vector_store %arg6[%swap3A_205], %swap3A_208 {strides = array<i32>} : memref<64xi32, #tpu.memory_space<vmem>>, vector<16xi32>,
    %get3A_209 = arith.constant 112 : index
    %get3A_210 = tpu.vector_load %arg5[%get3A_209] {strides = array<i32>} : memref<128xi32, #tpu.memory_space<vmem>>, vector<16xi32>,
    %get3A_211 = vector.shape_cast %get3A_210 : vector<16xi32> to vector<16xi32>
    %sub3A_212 = arith.subi %get3A_211, %add3A_133 : vector<16xi32>
    %abs3A_213 = math.absi %sub3A_212 : vector<16xi32>
    %min3A_214 = arith.constant 1 : i32
    %min3A_215 = vector.broadcast %min3A_214 : i32 to vector<16xi32>
    %min3A_216 = arith.minsi %abs3A_213, %min3A_215 : vector<16xi32>
    %sub3A_217 = arith.constant 1 : i32
    %sub3A_218 = vector.broadcast %sub3A_217 : i32 to vector<16xi32>
    %sub3A_219 = arith.subi %sub3A_218, %min3A_216 : vector<16xi32>
    %mul3A_220 = vector.broadcast %min3A_151 : i32 to vector<16xi32>
    %mul3A_221 = arith.muli %sub3A_219, %mul3A_220 : vector<16xi32>
    %mul3A_222 = vector.broadcast %add3A_113 : i32 to vector<16xi32>
    %mul3A_223 = arith.muli %mul3A_221, %mul3A_222 : vector<16xi32>
    %swap3A_224 = arith.constant 48 : index
    %swap3A_225 = tpu.vector_load %arg6[%swap3A_224] {strides = array<i32>} : memref<64xi32, #tpu.memory_space<vmem>>, vector<16xi32>,
    %swap3A_226 = vector.shape_cast %swap3A_225 : vector<16xi32> to vector<16xi32>
    %swap3A_227 = vector.shape_cast %mul3A_223 : vector<16xi32> to vector<16xi32>
    tpu.vector_store %arg6[%swap3A_224], %swap3A_227 {strides = array<i32>} : memref<64xi32, #tpu.memory_space<vmem>>, vector<16xi32>,
    %dma_start3A_228 = arith.constant 0 : i32
    %dma_start3A_229 = arith.constant 0 : i32
    %dma_start3A_230 = tpu.memref_slice %arg2[%dma_start3A_228, %dma_start3A_229] : memref<65x512xf32, #tpu.memory_space<hbm>> -> memref<65x512xf32, #tpu.memory_space<hbm>>
    tpu.enqueue_indirect_dma source(%dma_start3A_230 : memref<65x512xf32, #tpu.memory_space<hbm>>) target(%arg9 : memref<64x512xf32, #tpu.memory_space<vmem>>) offsets(%arg6 : memref<64xi32, #tpu.memory_space<vmem>>) semaphore(%arg10 : memref<!tpu.dma_semaphore, #tpu.memory_space<semaphore_mem>>)
    %dma_wait3A_231 = arith.constant 0 : i32
    %dma_wait3A_232 = arith.constant 0 : i32
    %dma_wait3A_233 = tpu.memref_slice %arg2[%dma_wait3A_231, %dma_wait3A_232] : memref<65x512xf32, #tpu.memory_space<hbm>> -> memref<65x512xf32, #tpu.memory_space<hbm>>
    tpu.wait_indirect_dma semaphore(%arg10 : memref<!tpu.dma_semaphore, #tpu.memory_space<semaphore_mem>>) src(%dma_wait3A_233 : memref<65x512xf32, #tpu.memory_space<hbm>>) dst(%arg9 : memref<64x512xf32, #tpu.memory_space<vmem>>)
    "tpu.region"() ({
      %run_scoped3A = tpu.sem_alloc : memref<!tpu.dma_semaphore, #tpu.memory_space<semaphore_mem>>
      %dma_start3A_234 = arith.constant 0 : i32
      %dma_start3A_235 = tpu.memref_slice %arg4[%mul3A_115, %dma_start3A_234] : memref<4096x512xf32, #tpu.memory_space<hbm>> -> memref<64x512xf32, #tpu.memory_space<hbm>>
      %dma_start3A_236 = arith.constant 0 : i32
      %dma_start3A_237 = tpu.memref_slice %arg4[%mul3A_115, %dma_start3A_236] : memref<4096x512xf32, #tpu.memory_space<hbm>> -> memref<64x512xf32, #tpu.memory_space<hbm>>
      tpu.enqueue_dma source(%arg9 : memref<64x512xf32, #tpu.memory_space<vmem>>) target(%dma_start3A_237 : memref<64x512xf32, #tpu.memory_space<hbm>>) target_semaphore(%run_scoped3A : memref<!tpu.dma_semaphore, #tpu.memory_space<semaphore_mem>>)
      %dma_wait3A_238 = arith.constant 0 : i32
      %dma_wait3A_239 = tpu.memref_slice %arg4[%mul3A_115, %dma_wait3A_238] : memref<4096x512xf32, #tpu.memory_space<hbm>> -> memref<64x512xf32, #tpu.memory_space<hbm>>
      %dma_wait3A_240 = arith.constant 0 : i32
      %dma_wait3A_241 = tpu.memref_slice %arg4[%mul3A_115, %dma_wait3A_240] : memref<4096x512xf32, #tpu.memory_space<hbm>> -> memref<64x512xf32, #tpu.memory_space<hbm>>
      tpu.wait_dma2 semaphore(%run_scoped3A : memref<!tpu.dma_semaphore, #tpu.memory_space<semaphore_mem>>) src(%arg9 : memref<64x512xf32, #tpu.memory_space<vmem>>) dst(%dma_wait3A_241 : memref<64x512xf32, #tpu.memory_space<hbm>>)
      tpu.yield
    }) : () -> ()
    return
  }
}

module attributes {stable_mosaic.version = 14 : i64} {
  func.func @_bar_kernel(%arg0: i32, %arg1: memref<6xi32, #tpu.memory_space<smem>>, %arg2: memref<6x2xi32, #tpu.memory_space<smem>>, %arg3: memref<1x2048x512xf32, #tpu.memory_space<vmem>>, %arg4: memref<1x2048x1xi32, #tpu.memory_space<vmem>>, %arg5: memref<1x2048x1xi32, #tpu.memory_space<vmem>>, %arg6: memref<1x32x64xi32, #tpu.memory_space<vmem>>, %arg7: memref<1x256x512xf32, #tpu.memory_space<vmem>>, %arg8: memref<512x512xf32, #tpu.memory_space<vmem>>, %arg9: memref<512x512xf32, #tpu.memory_space<vmem>>, %arg10: memref<512x512xf32, #tpu.memory_space<vmem>>, %arg11: memref<512x512xf32, #tpu.memory_space<vmem>>, %arg12: memref<512x512xf32, #tpu.memory_space<vmem>>, %arg13: memref<512x512xf32, #tpu.memory_space<vmem>>, %arg14: memref<1x32x64xf32, #tpu.memory_space<vmem>>, %arg15: memref<1x32x512xf32, #tpu.memory_space<vmem>>, %arg16: memref<1x32x64xi32, #tpu.memory_space<vmem>>, %arg17: memref<64x512xf32, #tpu.memory_space<vmem>>, %arg18: memref<256x512xf32, #tpu.memory_space<vmem>>) attributes {dimension_semantics = [#tpu.dimension_semantics<arbitrary>], iteration_bounds = array<i64: 2>, scalar_prefetch = 2 : i64, scratch_operands = 2 : i64, tpu.core_type = #tpu.core_type<tc>, window_params = [{transform_indices = @transform_0, window_bounds = array<i64: 1, 2048, 512>}, {transform_indices = @transform_1, window_bounds = array<i64: 1, 2048, 1>}, {transform_indices = @transform_2, window_bounds = array<i64: 1, 2048, 1>}, {transform_indices = @transform_3, window_bounds = array<i64: 1, 32, 64>}, {transform_indices = @transform_4, window_bounds = array<i64: 1, 256, 512>}, {pipeline_mode = #tpu.pipeline_mode<synchronous>, transform_indices = @transform_5, window_bounds = array<i64: 512, 512>}, {pipeline_mode = #tpu.pipeline_mode<synchronous>, transform_indices = @transform_6, window_bounds = array<i64: 512, 512>}, {pipeline_mode = #tpu.pipeline_mode<synchronous>, transform_indices = @transform_7, window_bounds = array<i64: 512, 512>}, {pipeline_mode = #tpu.pipeline_mode<synchronous>, transform_indices = @transform_8, window_bounds = array<i64: 512, 512>}, {pipeline_mode = #tpu.pipeline_mode<synchronous>, transform_indices = @transform_9, window_bounds = array<i64: 512, 512>}, {pipeline_mode = #tpu.pipeline_mode<synchronous>, transform_indices = @transform_10, window_bounds = array<i64: 512, 512>}, {transform_indices = @transform_11, window_bounds = array<i64: 1, 32, 64>}, {transform_indices = @transform_12, window_bounds = array<i64: 1, 32, 512>}, {transform_indices = @transform_13, window_bounds = array<i64: 1, 32, 64>}]} {
    %get3A = arith.constant 0 : index
    %get3A_0 = arith.constant 0 : index
    %get3A_1 = arith.constant 0 : index
    %get3A_2 = vector.load %arg3[%get3A, %get3A_0, %get3A_1] : memref<1x2048x512xf32, #tpu.memory_space<vmem>>, vector<1x2048x512xf32>
    %get3A_3 = vector.shape_cast %get3A_2 : vector<1x2048x512xf32> to vector<2048x512xf32>
    %get3A_4 = arith.constant 0 : index
    %get3A_5 = arith.constant 0 : index
    %get3A_6 = arith.constant 0 : index
    %get3A_7 = vector.load %arg4[%get3A_4, %get3A_5, %get3A_6] : memref<1x2048x1xi32, #tpu.memory_space<vmem>>, vector<1x2048x1xi32>
    %get3A_8 = vector.shape_cast %get3A_7 : vector<1x2048x1xi32> to vector<2048x1xi32>
    %get3A_9 = arith.constant 0 : index
    %get3A_10 = arith.constant 0 : index
    %get3A_11 = arith.constant 0 : index
    %get3A_12 = vector.load %arg5[%get3A_9, %get3A_10, %get3A_11] : memref<1x2048x1xi32, #tpu.memory_space<vmem>>, vector<1x2048x1xi32>
    %get3A_13 = vector.shape_cast %get3A_12 : vector<1x2048x1xi32> to vector<2048x1xi32>
    %get3A_14 = arith.constant 0 : index
    %get3A_15 = arith.constant 0 : index
    %get3A_16 = arith.constant 0 : index
    %get3A_17 = vector.load %arg6[%get3A_14, %get3A_15, %get3A_16] : memref<1x32x64xi32, #tpu.memory_space<vmem>>, vector<1x32x64xi32>
    %get3A_18 = vector.shape_cast %get3A_17 : vector<1x32x64xi32> to vector<32x64xi32>
    %convert_element_type3A = arith.sitofp %get3A_18 : vector<32x64xi32> to vector<32x64xf32>
    %iota3A = tpu.iota {dimensions = array<i32: 1>} : vector<32x2048xi32>
    %jit3A = arith.constant 64 : i32
    %div3A = vector.broadcast %jit3A : i32 to vector<32x2048xi32>
    %div3A_19 = arith.divsi %iota3A, %div3A : vector<32x2048xi32>
    %sign3A = arith.constant 0 : i32
    %sign3A_20 = vector.broadcast %sign3A : i32 to vector<32x2048xi32>
    %sign3A_21 = arith.cmpi sgt, %iota3A, %sign3A_20 : vector<32x2048xi32>
    %sign3A_22 = arith.extui %sign3A_21 : vector<32x2048xi1> to vector<32x2048xi32>
    %sign3A_23 = arith.constant 0 : i32
    %sign3A_24 = vector.broadcast %sign3A_23 : i32 to vector<32x2048xi32>
    %sign3A_25 = arith.cmpi slt, %iota3A, %sign3A_24 : vector<32x2048xi32>
    %sign3A_26 = arith.extui %sign3A_25 : vector<32x2048xi1> to vector<32x2048xi32>
    %sign3A_27 = arith.subi %sign3A_22, %sign3A_26 : vector<32x2048xi32>
    %sign3A_28 = arith.constant 0 : i32
    %sign3A_29 = arith.cmpi sgt, %jit3A, %sign3A_28 : i32
    %sign3A_30 = arith.extui %sign3A_29 : i1 to i32
    %sign3A_31 = arith.constant 0 : i32
    %sign3A_32 = arith.cmpi slt, %jit3A, %sign3A_31 : i32
    %sign3A_33 = arith.extui %sign3A_32 : i1 to i32
    %sign3A_34 = arith.subi %sign3A_30, %sign3A_33 : i32
    %ne3A = vector.broadcast %sign3A_34 : i32 to vector<32x2048xi32>
    %ne3A_35 = arith.cmpi ne, %sign3A_27, %ne3A : vector<32x2048xi32>
    %rem3A = vector.broadcast %jit3A : i32 to vector<32x2048xi32>
    %rem3A_36 = arith.remsi %iota3A, %rem3A : vector<32x2048xi32>
    %ne3A_37 = arith.constant 0 : i32
    %ne3A_38 = vector.broadcast %ne3A_37 : i32 to vector<32x2048xi32>
    %ne3A_39 = arith.cmpi ne, %rem3A_36, %ne3A_38 : vector<32x2048xi32>
    %and3A = arith.andi %ne3A_35, %ne3A_39 : vector<32x2048xi1>
    %sub3A = arith.constant 1 : i32
    %sub3A_40 = vector.broadcast %sub3A : i32 to vector<32x2048xi32>
    %sub3A_41 = arith.subi %div3A_19, %sub3A_40 : vector<32x2048xi32>
    %select_n3A = arith.select %and3A, %sub3A_41, %div3A_19 : vector<32x2048xi1>, vector<32x2048xi32>
    %iota3A_42 = tpu.iota {dimensions = array<i32: 0>} : vector<32x2048xi32>
    %eq3A = arith.cmpi eq, %select_n3A, %iota3A_42 : vector<32x2048xi32>
    %convert_element_type3A_43 = arith.extui %eq3A : vector<32x2048xi1> to vector<32x2048xi32>
    %convert_element_type3A_44 = arith.sitofp %convert_element_type3A_43 : vector<32x2048xi32> to vector<32x2048xf32>
    %iota3A_45 = tpu.iota {dimensions = array<i32: 0>} : vector<2048x32xi32>
    %jit3A_46 = arith.constant 64 : i32
    %div3A_47 = vector.broadcast %jit3A_46 : i32 to vector<2048x32xi32>
    %div3A_48 = arith.divsi %iota3A_45, %div3A_47 : vector<2048x32xi32>
    %sign3A_49 = arith.constant 0 : i32
    %sign3A_50 = vector.broadcast %sign3A_49 : i32 to vector<2048x32xi32>
    %sign3A_51 = arith.cmpi sgt, %iota3A_45, %sign3A_50 : vector<2048x32xi32>
    %sign3A_52 = arith.extui %sign3A_51 : vector<2048x32xi1> to vector<2048x32xi32>
    %sign3A_53 = arith.constant 0 : i32
    %sign3A_54 = vector.broadcast %sign3A_53 : i32 to vector<2048x32xi32>
    %sign3A_55 = arith.cmpi slt, %iota3A_45, %sign3A_54 : vector<2048x32xi32>
    %sign3A_56 = arith.extui %sign3A_55 : vector<2048x32xi1> to vector<2048x32xi32>
    %sign3A_57 = arith.subi %sign3A_52, %sign3A_56 : vector<2048x32xi32>
    %sign3A_58 = arith.constant 0 : i32
    %sign3A_59 = arith.cmpi sgt, %jit3A_46, %sign3A_58 : i32
    %sign3A_60 = arith.extui %sign3A_59 : i1 to i32
    %sign3A_61 = arith.constant 0 : i32
    %sign3A_62 = arith.cmpi slt, %jit3A_46, %sign3A_61 : i32
    %sign3A_63 = arith.extui %sign3A_62 : i1 to i32
    %sign3A_64 = arith.subi %sign3A_60, %sign3A_63 : i32
    %ne3A_65 = vector.broadcast %sign3A_64 : i32 to vector<2048x32xi32>
    %ne3A_66 = arith.cmpi ne, %sign3A_57, %ne3A_65 : vector<2048x32xi32>
    %rem3A_67 = vector.broadcast %jit3A_46 : i32 to vector<2048x32xi32>
    %rem3A_68 = arith.remsi %iota3A_45, %rem3A_67 : vector<2048x32xi32>
    %ne3A_69 = arith.constant 0 : i32
    %ne3A_70 = vector.broadcast %ne3A_69 : i32 to vector<2048x32xi32>
    %ne3A_71 = arith.cmpi ne, %rem3A_68, %ne3A_70 : vector<2048x32xi32>
    %and3A_72 = arith.andi %ne3A_66, %ne3A_71 : vector<2048x32xi1>
    %sub3A_73 = arith.constant 1 : i32
    %sub3A_74 = vector.broadcast %sub3A_73 : i32 to vector<2048x32xi32>
    %sub3A_75 = arith.subi %div3A_48, %sub3A_74 : vector<2048x32xi32>
    %select_n3A_76 = arith.select %and3A_72, %sub3A_75, %div3A_48 : vector<2048x32xi1>, vector<2048x32xi32>
    %iota3A_77 = tpu.iota {dimensions = array<i32: 1>} : vector<2048x32xi32>
    %eq3A_78 = arith.cmpi eq, %select_n3A_76, %iota3A_77 : vector<2048x32xi32>
    %convert_element_type3A_79 = arith.extui %eq3A_78 : vector<2048x32xi1> to vector<2048x32xi32>
    %convert_element_type3A_80 = arith.sitofp %convert_element_type3A_79 : vector<2048x32xi32> to vector<2048x32xf32>
    %iota3A_81 = tpu.iota {dimensions = array<i32: 0>} : vector<512x8xi32>
    %jit3A_82 = arith.constant 64 : i32
    %div3A_83 = vector.broadcast %jit3A_82 : i32 to vector<512x8xi32>
    %div3A_84 = arith.divsi %iota3A_81, %div3A_83 : vector<512x8xi32>
    %sign3A_85 = arith.constant 0 : i32
    %sign3A_86 = vector.broadcast %sign3A_85 : i32 to vector<512x8xi32>
    %sign3A_87 = arith.cmpi sgt, %iota3A_81, %sign3A_86 : vector<512x8xi32>
    %sign3A_88 = arith.extui %sign3A_87 : vector<512x8xi1> to vector<512x8xi32>
    %sign3A_89 = arith.constant 0 : i32
    %sign3A_90 = vector.broadcast %sign3A_89 : i32 to vector<512x8xi32>
    %sign3A_91 = arith.cmpi slt, %iota3A_81, %sign3A_90 : vector<512x8xi32>
    %sign3A_92 = arith.extui %sign3A_91 : vector<512x8xi1> to vector<512x8xi32>
    %sign3A_93 = arith.subi %sign3A_88, %sign3A_92 : vector<512x8xi32>
    %sign3A_94 = arith.constant 0 : i32
    %sign3A_95 = arith.cmpi sgt, %jit3A_82, %sign3A_94 : i32
    %sign3A_96 = arith.extui %sign3A_95 : i1 to i32
    %sign3A_97 = arith.constant 0 : i32
    %sign3A_98 = arith.cmpi slt, %jit3A_82, %sign3A_97 : i32
    %sign3A_99 = arith.extui %sign3A_98 : i1 to i32
    %sign3A_100 = arith.subi %sign3A_96, %sign3A_99 : i32
    %ne3A_101 = vector.broadcast %sign3A_100 : i32 to vector<512x8xi32>
    %ne3A_102 = arith.cmpi ne, %sign3A_93, %ne3A_101 : vector<512x8xi32>
    %rem3A_103 = vector.broadcast %jit3A_82 : i32 to vector<512x8xi32>
    %rem3A_104 = arith.remsi %iota3A_81, %rem3A_103 : vector<512x8xi32>
    %ne3A_105 = arith.constant 0 : i32
    %ne3A_106 = vector.broadcast %ne3A_105 : i32 to vector<512x8xi32>
    %ne3A_107 = arith.cmpi ne, %rem3A_104, %ne3A_106 : vector<512x8xi32>
    %and3A_108 = arith.andi %ne3A_102, %ne3A_107 : vector<512x8xi1>
    %sub3A_109 = arith.constant 1 : i32
    %sub3A_110 = vector.broadcast %sub3A_109 : i32 to vector<512x8xi32>
    %sub3A_111 = arith.subi %div3A_84, %sub3A_110 : vector<512x8xi32>
    %select_n3A_112 = arith.select %and3A_108, %sub3A_111, %div3A_84 : vector<512x8xi1>, vector<512x8xi32>
    %iota3A_113 = tpu.iota {dimensions = array<i32: 1>} : vector<512x8xi32>
    %eq3A_114 = arith.cmpi eq, %select_n3A_112, %iota3A_113 : vector<512x8xi32>
    %jit3A_115 = arith.constant 1.250000e-01 : f32
    %jit3A_116 = arith.constant 0.000000e+00 : f32
    %broadcast_in_dim3A = vector.broadcast %jit3A_115 : f32 to vector<512x8xf32>
    %broadcast_in_dim3A_117 = vector.broadcast %jit3A_116 : f32 to vector<512x8xf32>
    %select_n3A_118 = arith.select %eq3A_114, %broadcast_in_dim3A, %broadcast_in_dim3A_117 : vector<512x8xi1>, vector<512x8xf32>
    %iota3A_119 = tpu.iota {dimensions = array<i32: 1>} : vector<8x512xi32>
    %jit3A_120 = arith.constant 64 : i32
    %div3A_121 = vector.broadcast %jit3A_120 : i32 to vector<8x512xi32>
    %div3A_122 = arith.divsi %iota3A_119, %div3A_121 : vector<8x512xi32>
    %sign3A_123 = arith.constant 0 : i32
    %sign3A_124 = vector.broadcast %sign3A_123 : i32 to vector<8x512xi32>
    %sign3A_125 = arith.cmpi sgt, %iota3A_119, %sign3A_124 : vector<8x512xi32>
    %sign3A_126 = arith.extui %sign3A_125 : vector<8x512xi1> to vector<8x512xi32>
    %sign3A_127 = arith.constant 0 : i32
    %sign3A_128 = vector.broadcast %sign3A_127 : i32 to vector<8x512xi32>
    %sign3A_129 = arith.cmpi slt, %iota3A_119, %sign3A_128 : vector<8x512xi32>
    %sign3A_130 = arith.extui %sign3A_129 : vector<8x512xi1> to vector<8x512xi32>
    %sign3A_131 = arith.subi %sign3A_126, %sign3A_130 : vector<8x512xi32>
    %sign3A_132 = arith.constant 0 : i32
    %sign3A_133 = arith.cmpi sgt, %jit3A_120, %sign3A_132 : i32
    %sign3A_134 = arith.extui %sign3A_133 : i1 to i32
    %sign3A_135 = arith.constant 0 : i32
    %sign3A_136 = arith.cmpi slt, %jit3A_120, %sign3A_135 : i32
    %sign3A_137 = arith.extui %sign3A_136 : i1 to i32
    %sign3A_138 = arith.subi %sign3A_134, %sign3A_137 : i32
    %ne3A_139 = vector.broadcast %sign3A_138 : i32 to vector<8x512xi32>
    %ne3A_140 = arith.cmpi ne, %sign3A_131, %ne3A_139 : vector<8x512xi32>
    %rem3A_141 = vector.broadcast %jit3A_120 : i32 to vector<8x512xi32>
    %rem3A_142 = arith.remsi %iota3A_119, %rem3A_141 : vector<8x512xi32>
    %ne3A_143 = arith.constant 0 : i32
    %ne3A_144 = vector.broadcast %ne3A_143 : i32 to vector<8x512xi32>
    %ne3A_145 = arith.cmpi ne, %rem3A_142, %ne3A_144 : vector<8x512xi32>
    %and3A_146 = arith.andi %ne3A_140, %ne3A_145 : vector<8x512xi1>
    %sub3A_147 = arith.constant 1 : i32
    %sub3A_148 = vector.broadcast %sub3A_147 : i32 to vector<8x512xi32>
    %sub3A_149 = arith.subi %div3A_122, %sub3A_148 : vector<8x512xi32>
    %select_n3A_150 = arith.select %and3A_146, %sub3A_149, %div3A_122 : vector<8x512xi1>, vector<8x512xi32>
    %iota3A_151 = tpu.iota {dimensions = array<i32: 0>} : vector<8x512xi32>
    %eq3A_152 = arith.cmpi eq, %select_n3A_150, %iota3A_151 : vector<8x512xi32>
    %convert_element_type3A_153 = arith.extui %eq3A_152 : vector<8x512xi1> to vector<8x512xi32>
    %convert_element_type3A_154 = arith.sitofp %convert_element_type3A_153 : vector<8x512xi32> to vector<8x512xf32>
    %iota3A_155 = tpu.iota {dimensions = array<i32: 0>} : vector<64x64xi32>
    %iota3A_156 = tpu.iota {dimensions = array<i32: 1>} : vector<64x64xi32>
    %le3A = arith.cmpi sle, %iota3A_155, %iota3A_156 : vector<64x64xi32>
    %convert_element_type3A_157 = arith.extui %le3A : vector<64x64xi1> to vector<64x64xi32>
    %convert_element_type3A_158 = arith.sitofp %convert_element_type3A_157 : vector<64x64xi32> to vector<64x64xf32>
    %iota3A_159 = tpu.iota {dimensions = array<i32: 1>} : vector<32x32xi32>
    %iota3A_160 = tpu.iota {dimensions = array<i32: 0>} : vector<32x32xi32>
    %lt3A = arith.cmpi slt, %iota3A_159, %iota3A_160 : vector<32x32xi32>
    %convert_element_type3A_161 = arith.extui %lt3A : vector<32x32xi1> to vector<32x32xi32>
    %convert_element_type3A_162 = arith.sitofp %convert_element_type3A_161 : vector<32x32xi32> to vector<32x32xf32>
    %dot_general3A = arith.constant dense<0.000000e+00> : vector<32x64xf32>
    %dot_general3A_163 = tpu.matmul %convert_element_type3A, %convert_element_type3A_158, %dot_general3A {dimension_numbers = #tpu.dot_dimension_numbers<[1], [0], [0], [1], [0, 0, 1, 1], [], []>, transpose_lhs_hint = false} : vector<32x64xf32>, vector<64x64xf32>, vector<32x64xf32> -> vector<32x64xf32>
    %slice3A = vector.extract_strided_slice %dot_general3A_163 {offsets = [0, 63], sizes = [32, 1], strides = [1, 1]} : vector<32x64xf32> to vector<32x1xf32>
    %dot_general3A_164 = arith.constant dense<0.000000e+00> : vector<32x1xf32>
    %dot_general3A_165 = tpu.matmul %convert_element_type3A_162, %slice3A, %dot_general3A_164 {dimension_numbers = #tpu.dot_dimension_numbers<[1], [0], [0], [1], [0, 0, 1, 1], [], []>, transpose_lhs_hint = false} : vector<32x32xf32>, vector<32x1xf32>, vector<32x1xf32> -> vector<32x1xf32>
    %add3A = vector.broadcast %dot_general3A_165 : vector<32x1xf32> to vector<32x64xf32>
    %add3A_166 = arith.addf %dot_general3A_163, %add3A : vector<32x64xf32>
    %iota3A_167 = tpu.iota {dimensions = array<i32: 0>} : vector<2048x1xi32>
    %jit3A_168 = arith.constant 64 : i32
    %div3A_169 = vector.broadcast %jit3A_168 : i32 to vector<2048x1xi32>
    %div3A_170 = arith.divsi %iota3A_167, %div3A_169 : vector<2048x1xi32>
    %sign3A_171 = arith.constant 0 : i32
    %sign3A_172 = vector.broadcast %sign3A_171 : i32 to vector<2048x1xi32>
    %sign3A_173 = arith.cmpi sgt, %iota3A_167, %sign3A_172 : vector<2048x1xi32>
    %sign3A_174 = arith.extui %sign3A_173 : vector<2048x1xi1> to vector<2048x1xi32>
    %sign3A_175 = arith.constant 0 : i32
    %sign3A_176 = vector.broadcast %sign3A_175 : i32 to vector<2048x1xi32>
    %sign3A_177 = arith.cmpi slt, %iota3A_167, %sign3A_176 : vector<2048x1xi32>
    %sign3A_178 = arith.extui %sign3A_177 : vector<2048x1xi1> to vector<2048x1xi32>
    %sign3A_179 = arith.subi %sign3A_174, %sign3A_178 : vector<2048x1xi32>
    %sign3A_180 = arith.constant 0 : i32
    %sign3A_181 = arith.cmpi sgt, %jit3A_168, %sign3A_180 : i32
    %sign3A_182 = arith.extui %sign3A_181 : i1 to i32
    %sign3A_183 = arith.constant 0 : i32
    %sign3A_184 = arith.cmpi slt, %jit3A_168, %sign3A_183 : i32
    %sign3A_185 = arith.extui %sign3A_184 : i1 to i32
    %sign3A_186 = arith.subi %sign3A_182, %sign3A_185 : i32
    %ne3A_187 = vector.broadcast %sign3A_186 : i32 to vector<2048x1xi32>
    %ne3A_188 = arith.cmpi ne, %sign3A_179, %ne3A_187 : vector<2048x1xi32>
    %rem3A_189 = vector.broadcast %jit3A_168 : i32 to vector<2048x1xi32>
    %rem3A_190 = arith.remsi %iota3A_167, %rem3A_189 : vector<2048x1xi32>
    %ne3A_191 = arith.constant 0 : i32
    %ne3A_192 = vector.broadcast %ne3A_191 : i32 to vector<2048x1xi32>
    %ne3A_193 = arith.cmpi ne, %rem3A_190, %ne3A_192 : vector<2048x1xi32>
    %and3A_194 = arith.andi %ne3A_188, %ne3A_193 : vector<2048x1xi1>
    %sub3A_195 = arith.constant 1 : i32
    %sub3A_196 = vector.broadcast %sub3A_195 : i32 to vector<2048x1xi32>
    %sub3A_197 = arith.subi %div3A_170, %sub3A_196 : vector<2048x1xi32>
    %select_n3A_198 = arith.select %and3A_194, %sub3A_197, %div3A_170 : vector<2048x1xi1>, vector<2048x1xi32>
    %mul3A = arith.constant 64 : i32
    %mul3A_199 = vector.broadcast %mul3A : i32 to vector<2048x1xi32>
    %mul3A_200 = arith.muli %select_n3A_198, %mul3A_199 : vector<2048x1xi32>
    %sub3A_201 = arith.subi %iota3A_167, %mul3A_200 : vector<2048x1xi32>
    %iota3A_202 = tpu.iota {dimensions = array<i32: 1>} : vector<2048x64xi32>
    %eq3A_203 = vector.broadcast %sub3A_201 : vector<2048x1xi32> to vector<2048x64xi32>
    %eq3A_204 = arith.cmpi eq, %iota3A_202, %eq3A_203 : vector<2048x64xi32>
    %convert_element_type3A_205 = arith.extui %eq3A_204 : vector<2048x64xi1> to vector<2048x64xi32>
    %convert_element_type3A_206 = arith.sitofp %convert_element_type3A_205 : vector<2048x64xi32> to vector<2048x64xf32>
    %dot_general3A_207 = arith.constant dense<0.000000e+00> : vector<2048x64xf32>
    %dot_general3A_208 = tpu.matmul %convert_element_type3A_80, %add3A_166, %dot_general3A_207 {dimension_numbers = #tpu.dot_dimension_numbers<[1], [0], [0], [1], [0, 0, 1, 1], [], []>, transpose_lhs_hint = false} : vector<2048x32xf32>, vector<32x64xf32>, vector<2048x64xf32> -> vector<2048x64xf32>
    %mul3A_209 = arith.mulf %dot_general3A_208, %convert_element_type3A_206 : vector<2048x64xf32>
    %broadcast_in_dim3A_210 = arith.constant 1.000000e+00 : f32
    %broadcast_in_dim3A_211 = vector.broadcast %broadcast_in_dim3A_210 : f32 to vector<64x1xf32>
    %dot_general3A_212 = arith.constant dense<0.000000e+00> : vector<2048x1xf32>
    %dot_general3A_213 = tpu.matmul %mul3A_209, %broadcast_in_dim3A_211, %dot_general3A_212 {dimension_numbers = #tpu.dot_dimension_numbers<[1], [0], [0], [1], [0, 0, 1, 1], [], []>, transpose_lhs_hint = false} : vector<2048x64xf32>, vector<64x1xf32>, vector<2048x1xf32> -> vector<2048x1xf32>
    %eq3A_214 = arith.constant 0 : i32
    %eq3A_215 = arith.cmpi eq, %arg0, %eq3A_214 : i32
    %convert_element_type3A_216 = arith.extui %eq3A_215 : i1 to i32
    %cond3A = arith.constant 0 : i32
    %cond3A_217 = arith.cmpi ne, %convert_element_type3A_216, %cond3A : i32
    scf.if %cond3A_217 {
      %iota3A_521 = tpu.iota {dimensions = array<i32: 1>} : vector<1x256xi32>
      %convert_element_type3A_522 = arith.sitofp %iota3A_521 : vector<1x256xi32> to vector<1x256xf32>
      %mul3A_523 = arith.constant -0.0359778926 : f32
      %mul3A_524 = vector.broadcast %mul3A_523 : f32 to vector<1x256xf32>
      %mul3A_525 = arith.mulf %convert_element_type3A_522, %mul3A_524 : vector<1x256xf32>
      %exp3A_526 = math.exp %mul3A_525 : vector<1x256xf32>
      %iota3A_527 = tpu.iota {dimensions = array<i32: 0>} : vector<64x1xi32>
      %convert_element_type3A_528 = arith.sitofp %iota3A_527 : vector<64x1xi32> to vector<64x1xf32>
      %mul3A_529 = vector.broadcast %convert_element_type3A_528 : vector<64x1xf32> to vector<64x256xf32>
      %mul3A_530 = vector.broadcast %exp3A_526 : vector<1x256xf32> to vector<64x256xf32>
      %mul3A_531 = arith.mulf %mul3A_529, %mul3A_530 : vector<64x256xf32>
      %sin3A = math.sin %mul3A_531 : vector<64x256xf32>
      %cos3A = math.cos %mul3A_531 : vector<64x256xf32>
      %concatenate3A_532 = tpu.concatenate %sin3A, %cos3A in 1 : vector<64x256xf32>, vector<64x256xf32> -> vector<64x512xf32>
      %swap3A_533 = arith.constant 0 : index
      %swap3A_534 = arith.constant 0 : index
      %swap3A_535 = vector.load %arg17[%swap3A_533, %swap3A_534] : memref<64x512xf32, #tpu.memory_space<vmem>>, vector<64x512xf32>
      tpu.vector_store %arg17[%swap3A_533, %swap3A_534], %concatenate3A_532 {strides = array<i32>} : memref<64x512xf32, #tpu.memory_space<vmem>>, vector<64x512xf32>,
      %get3A_536 = arith.constant 2 : index
      %get3A_537 = arith.constant 1 : index
      %get3A_538 = memref.load %arg2[%get3A_536, %get3A_537] : memref<6x2xi32, #tpu.memory_space<smem>>
      %convert_element_type3A_539 = arith.sitofp %get3A_538 : i32 to f32
      %sub3A_540 = arith.constant 1.000000e+00 : f32
      %sub3A_541 = arith.subf %convert_element_type3A_539, %sub3A_540 : f32
      %max3A_542 = arith.constant 1.000000e+00 : f32
      %max3A_543 = arith.maximumf %sub3A_541, %max3A_542 : f32
      %iota3A_544 = tpu.iota {dimensions = array<i32: 0>} : vector<256x1xi32>
      %convert_element_type3A_545 = arith.sitofp %iota3A_544 : vector<256x1xi32> to vector<256x1xf32>
      %div3A_546 = vector.broadcast %max3A_543 : f32 to vector<256x1xf32>
      %div3A_547 = arith.divf %convert_element_type3A_545, %div3A_546 : vector<256x1xf32>
      %mul3A_548 = vector.broadcast %convert_element_type3A_539 : f32 to vector<256x1xf32>
      %mul3A_549 = arith.mulf %div3A_547, %mul3A_548 : vector<256x1xf32>
      %mul3A_550 = vector.broadcast %mul3A_549 : vector<256x1xf32> to vector<256x256xf32>
      %mul3A_551 = vector.broadcast %exp3A_526 : vector<1x256xf32> to vector<256x256xf32>
      %mul3A_552 = arith.mulf %mul3A_550, %mul3A_551 : vector<256x256xf32>
      %sin3A_553 = math.sin %mul3A_552 : vector<256x256xf32>
      %cos3A_554 = math.cos %mul3A_552 : vector<256x256xf32>
      %concatenate3A_555 = tpu.concatenate %sin3A_553, %cos3A_554 in 1 : vector<256x256xf32>, vector<256x256xf32> -> vector<256x512xf32>
      %swap3A_556 = arith.constant 0 : index
      %swap3A_557 = arith.constant 0 : index
      %swap3A_558 = vector.load %arg18[%swap3A_556, %swap3A_557] : memref<256x512xf32, #tpu.memory_space<vmem>>, vector<256x512xf32>
      tpu.vector_store %arg18[%swap3A_556, %swap3A_557], %concatenate3A_555 {strides = array<i32>} : memref<256x512xf32, #tpu.memory_space<vmem>>, vector<256x512xf32>,
    } else {
    }
    %iota3A_218 = tpu.iota {dimensions = array<i32: 1>} : vector<2048x64xi32>
    %convert_element_type3A_219 = arith.sitofp %iota3A_218 : vector<2048x64xi32> to vector<2048x64xf32>
    %eq3A_220 = vector.broadcast %dot_general3A_213 : vector<2048x1xf32> to vector<2048x64xf32>
    %eq3A_221 = arith.cmpf oeq, %eq3A_220, %convert_element_type3A_219 : vector<2048x64xf32>
    %convert_element_type3A_222 = arith.extui %eq3A_221 : vector<2048x64xi1> to vector<2048x64xi32>
    %convert_element_type3A_223 = arith.sitofp %convert_element_type3A_222 : vector<2048x64xi32> to vector<2048x64xf32>
    %get3A_224 = arith.constant 0 : index
    %get3A_225 = arith.constant 0 : index
    %get3A_226 = vector.load %arg17[%get3A_224, %get3A_225] : memref<64x512xf32, #tpu.memory_space<vmem>>, vector<64x512xf32>
    %dot_general3A_227 = arith.constant dense<0.000000e+00> : vector<2048x512xf32>
    %dot_general3A_228 = tpu.matmul %convert_element_type3A_223, %get3A_226, %dot_general3A_227 {dimension_numbers = #tpu.dot_dimension_numbers<[1], [0], [0], [1], [0, 0, 1, 1], [], []>, transpose_lhs_hint = false} : vector<2048x64xf32>, vector<64x512xf32>, vector<2048x512xf32> -> vector<2048x512xf32>
    %add3A_229 = arith.addf %get3A_3, %dot_general3A_228 : vector<2048x512xf32>
    %get3A_230 = arith.constant 0 : index
    %get3A_231 = arith.constant 0 : index
    %get3A_232 = vector.load %arg9[%get3A_230, %get3A_231] : memref<512x512xf32, #tpu.memory_space<vmem>>, vector<512x512xf32>
    %dot_general3A_233 = arith.constant dense<0.000000e+00> : vector<2048x512xf32>
    %dot_general3A_234 = tpu.matmul %add3A_229, %get3A_232, %dot_general3A_233 {dimension_numbers = #tpu.dot_dimension_numbers<[1], [1], [0], [0], [0, 0, 1, 0], [], []>, transpose_lhs_hint = false} : vector<2048x512xf32>, vector<512x512xf32>, vector<2048x512xf32> -> vector<2048x512xf32>
    %get3A_235 = arith.constant 0 : index
    %get3A_236 = arith.constant 0 : index
    %get3A_237 = vector.load %arg10[%get3A_235, %get3A_236] : memref<512x512xf32, #tpu.memory_space<vmem>>, vector<512x512xf32>
    %dot_general3A_238 = arith.constant dense<0.000000e+00> : vector<2048x512xf32>
    %dot_general3A_239 = tpu.matmul %add3A_229, %get3A_237, %dot_general3A_238 {dimension_numbers = #tpu.dot_dimension_numbers<[1], [1], [0], [0], [0, 0, 1, 0], [], []>, transpose_lhs_hint = false} : vector<2048x512xf32>, vector<512x512xf32>, vector<2048x512xf32> -> vector<2048x512xf32>
    %reshape3A = vector.shape_cast %add3A_229 : vector<2048x512xf32> to vector<32x64x512xf32>
    %slice3A_240 = vector.extract_strided_slice %reshape3A {offsets = [0, 0, 0], sizes = [32, 1, 512], strides = [1, 1, 1]} : vector<32x64x512xf32> to vector<32x1x512xf32>
    %squeeze3A = vector.shape_cast %slice3A_240 : vector<32x1x512xf32> to vector<32x512xf32>
    %get3A_241 = arith.constant 0 : index
    %get3A_242 = arith.constant 0 : index
    %get3A_243 = vector.load %arg8[%get3A_241, %get3A_242] : memref<512x512xf32, #tpu.memory_space<vmem>>, vector<512x512xf32>
    %dot_general3A_244 = arith.constant dense<0.000000e+00> : vector<32x512xf32>
    %dot_general3A_245 = tpu.matmul %squeeze3A, %get3A_243, %dot_general3A_244 {dimension_numbers = #tpu.dot_dimension_numbers<[1], [1], [0], [0], [0, 0, 1, 0], [], []>, transpose_lhs_hint = false} : vector<32x512xf32>, vector<512x512xf32>, vector<32x512xf32> -> vector<32x512xf32>
    %broadcast_in_dim3A_246 = vector.shape_cast %dot_general3A_245 : vector<32x512xf32> to vector<32x1x512xf32>
    %broadcast_in_dim3A_247 = vector.shape_cast %broadcast_in_dim3A_246 : vector<32x1x512xf32> to vector<32x1x512xf32>
    %broadcast_in_dim3A_248 = vector.broadcast %broadcast_in_dim3A_247 : vector<32x1x512xf32> to vector<32x64x512xf32>
    %reshape3A_249 = vector.shape_cast %broadcast_in_dim3A_248 : vector<32x64x512xf32> to vector<2048x512xf32>
    %mul3A_250 = arith.mulf %dot_general3A_234, %reshape3A_249 : vector<2048x512xf32>
    %dot_general3A_251 = arith.constant dense<0.000000e+00> : vector<2048x8xf32>
    %dot_general3A_252 = tpu.matmul %mul3A_250, %select_n3A_118, %dot_general3A_251 {dimension_numbers = #tpu.dot_dimension_numbers<[1], [0], [0], [1], [0, 0, 1, 1], [], []>, transpose_lhs_hint = false} : vector<2048x512xf32>, vector<512x8xf32>, vector<2048x8xf32> -> vector<2048x8xf32>
    %slice3A_253 = vector.extract_strided_slice %add3A_166 {offsets = [0, 0], sizes = [32, 1], strides = [1, 1]} : vector<32x64xf32> to vector<32x1xf32>
    %dot_general3A_254 = arith.constant dense<0.000000e+00> : vector<2048x1xf32>
    %dot_general3A_255 = tpu.matmul %convert_element_type3A_80, %slice3A_253, %dot_general3A_254 {dimension_numbers = #tpu.dot_dimension_numbers<[1], [0], [0], [1], [0, 0, 1, 1], [], []>, transpose_lhs_hint = false} : vector<2048x32xf32>, vector<32x1xf32>, vector<2048x1xf32> -> vector<2048x1xf32>
    %eq3A_256 = arith.cmpf oeq, %dot_general3A_213, %dot_general3A_255 : vector<2048x1xf32>
    %eq3A_257 = arith.constant 0 : i32
    %eq3A_258 = vector.broadcast %eq3A_257 : i32 to vector<2048x1xi32>
    %eq3A_259 = arith.cmpi eq, %get3A_8, %eq3A_258 : vector<2048x1xi32>
    %and3A_260 = arith.andi %eq3A_256, %eq3A_259 : vector<2048x1xi1>
    %gt3A = arith.constant 1 : i32
    %gt3A_261 = vector.broadcast %gt3A : i32 to vector<2048x1xi32>
    %gt3A_262 = arith.cmpi sgt, %get3A_13, %gt3A_261 : vector<2048x1xi32>
    %and3A_263 = arith.andi %and3A_260, %gt3A_262 : vector<2048x1xi1>
    %gt3A_264 = arith.constant 0 : i32
    %gt3A_265 = vector.broadcast %gt3A_264 : i32 to vector<2048x1xi32>
    %gt3A_266 = arith.cmpi sgt, %sub3A_201, %gt3A_265 : vector<2048x1xi32>
    %and3A_267 = arith.andi %and3A_263, %gt3A_266 : vector<2048x1xi1>
    %convert_element_type3A_268 = arith.extui %and3A_267 : vector<2048x1xi1> to vector<2048x1xi32>
    %convert_element_type3A_269 = arith.sitofp %convert_element_type3A_268 : vector<2048x1xi32> to vector<2048x1xf32>
    %exp3A = math.exp %dot_general3A_252 : vector<2048x8xf32>
    %mul3A_270 = vector.broadcast %convert_element_type3A_269 : vector<2048x1xf32> to vector<2048x8xf32>
    %mul3A_271 = arith.mulf %exp3A, %mul3A_270 : vector<2048x8xf32>
    %dot_general3A_272 = arith.constant dense<0.000000e+00> : vector<32x8xf32>
    %dot_general3A_273 = tpu.matmul %convert_element_type3A_44, %mul3A_271, %dot_general3A_272 {dimension_numbers = #tpu.dot_dimension_numbers<[1], [0], [0], [1], [0, 0, 1, 1], [], []>, transpose_lhs_hint = false} : vector<32x2048xf32>, vector<2048x8xf32>, vector<32x8xf32> -> vector<32x8xf32>
    %max3A = arith.constant 1.000000e-30 : f32
    %max3A_274 = vector.broadcast %max3A : f32 to vector<32x8xf32>
    %max3A_275 = arith.maximumf %dot_general3A_273, %max3A_274 : vector<32x8xf32>
    %div3A_276 = arith.constant 1.000000e+00 : f32
    %div3A_277 = vector.broadcast %div3A_276 : f32 to vector<32x8xf32>
    %div3A_278 = arith.divf %div3A_277, %max3A_275 : vector<32x8xf32>
    %dot_general3A_279 = arith.constant dense<0.000000e+00> : vector<2048x8xf32>
    %dot_general3A_280 = tpu.matmul %convert_element_type3A_80, %div3A_278, %dot_general3A_279 {dimension_numbers = #tpu.dot_dimension_numbers<[1], [0], [0], [1], [0, 0, 1, 1], [], []>, transpose_lhs_hint = false} : vector<2048x32xf32>, vector<32x8xf32>, vector<2048x8xf32> -> vector<2048x8xf32>
    %mul3A_281 = arith.mulf %mul3A_271, %dot_general3A_280 : vector<2048x8xf32>
    %dot_general3A_282 = arith.constant dense<0.000000e+00> : vector<2048x512xf32>
    %dot_general3A_283 = tpu.matmul %mul3A_281, %convert_element_type3A_154, %dot_general3A_282 {dimension_numbers = #tpu.dot_dimension_numbers<[1], [0], [0], [1], [0, 0, 1, 1], [], []>, transpose_lhs_hint = false} : vector<2048x8xf32>, vector<8x512xf32>, vector<2048x512xf32> -> vector<2048x512xf32>
    %mul3A_284 = arith.mulf %dot_general3A_283, %dot_general3A_239 : vector<2048x512xf32>
    %dot_general3A_285 = arith.constant dense<0.000000e+00> : vector<32x512xf32>
    %dot_general3A_286 = tpu.matmul %convert_element_type3A_44, %mul3A_284, %dot_general3A_285 {dimension_numbers = #tpu.dot_dimension_numbers<[1], [0], [0], [1], [0, 0, 1, 1], [], []>, transpose_lhs_hint = false} : vector<32x2048xf32>, vector<2048x512xf32>, vector<32x512xf32> -> vector<32x512xf32>
    %get3A_287 = arith.constant 0 : index
    %get3A_288 = arith.constant 0 : index
    %get3A_289 = vector.load %arg11[%get3A_287, %get3A_288] : memref<512x512xf32, #tpu.memory_space<vmem>>, vector<512x512xf32>
    %dot_general3A_290 = arith.constant dense<0.000000e+00> : vector<32x512xf32>
    %dot_general3A_291 = tpu.matmul %dot_general3A_286, %get3A_289, %dot_general3A_290 {dimension_numbers = #tpu.dot_dimension_numbers<[1], [1], [0], [0], [0, 0, 1, 0], [], []>, transpose_lhs_hint = false} : vector<32x512xf32>, vector<512x512xf32>, vector<32x512xf32> -> vector<32x512xf32>
    %dot_general3A_292 = arith.constant dense<0.000000e+00> : vector<32x1xf32>
    %dot_general3A_293 = tpu.matmul %convert_element_type3A_44, %convert_element_type3A_269, %dot_general3A_292 {dimension_numbers = #tpu.dot_dimension_numbers<[1], [0], [0], [1], [0, 0, 1, 1], [], []>, transpose_lhs_hint = false} : vector<32x2048xf32>, vector<2048x1xf32>, vector<32x1xf32> -> vector<32x1xf32>
    %gt3A_294 = arith.constant 0.000000e+00 : f32
    %gt3A_295 = vector.broadcast %gt3A_294 : f32 to vector<32x1xf32>
    %gt3A_296 = arith.cmpf ogt, %dot_general3A_293, %gt3A_295 : vector<32x1xf32>
    %broadcast_in_dim3A_297 = vector.shape_cast %gt3A_296 : vector<32x1xi1> to vector<32x1xi1>
    %broadcast_in_dim3A_298 = vector.broadcast %broadcast_in_dim3A_297 : vector<32x1xi1> to vector<32x512xi1>
    %select_n3A_299 = arith.select %broadcast_in_dim3A_298, %dot_general3A_291, %squeeze3A : vector<32x512xi1>, vector<32x512xf32>
    %get3A_300 = arith.constant 2 : index
    %get3A_301 = arith.constant 1 : index
    %get3A_302 = memref.load %arg2[%get3A_300, %get3A_301] : memref<6x2xi32, #tpu.memory_space<smem>>
    %convert_element_type3A_303 = arith.sitofp %get3A_302 : i32 to f32
    %sub3A_304 = arith.constant 1.000000e+00 : f32
    %sub3A_305 = arith.subf %convert_element_type3A_303, %sub3A_304 : f32
    %max3A_306 = arith.constant 1.000000e+00 : f32
    %max3A_307 = arith.maximumf %sub3A_305, %max3A_306 : f32
    %get3A_308 = arith.constant 0 : index
    %get3A_309 = arith.constant 0 : index
    %get3A_310 = arith.constant 0 : index
    %get3A_311 = vector.load %arg7[%get3A_308, %get3A_309, %get3A_310] : memref<1x256x512xf32, #tpu.memory_space<vmem>>, vector<1x256x512xf32>
    %get3A_312 = vector.shape_cast %get3A_311 : vector<1x256x512xf32> to vector<256x512xf32>
    %get3A_313 = arith.constant 0 : index
    %get3A_314 = arith.constant 0 : index
    %get3A_315 = vector.load %arg13[%get3A_313, %get3A_314] : memref<512x512xf32, #tpu.memory_space<vmem>>, vector<512x512xf32>
    %dot_general3A_316 = arith.constant dense<0.000000e+00> : vector<256x512xf32>
    %dot_general3A_317 = tpu.matmul %get3A_312, %get3A_315, %dot_general3A_316 {dimension_numbers = #tpu.dot_dimension_numbers<[1], [1], [0], [0], [0, 0, 1, 0], [], []>, transpose_lhs_hint = false} : vector<256x512xf32>, vector<512x512xf32>, vector<256x512xf32> -> vector<256x512xf32>
    %get3A_318 = arith.constant 0 : index
    %get3A_319 = arith.constant 0 : index
    %get3A_320 = vector.load %arg18[%get3A_318, %get3A_319] : memref<256x512xf32, #tpu.memory_space<vmem>>, vector<256x512xf32>
    %add3A_321 = arith.addf %dot_general3A_317, %get3A_320 : vector<256x512xf32>
    %get3A_322 = arith.constant 0 : index
    %get3A_323 = arith.constant 0 : index
    %get3A_324 = vector.load %arg12[%get3A_322, %get3A_323] : memref<512x512xf32, #tpu.memory_space<vmem>>, vector<512x512xf32>
    %dot_general3A_325 = arith.constant dense<0.000000e+00> : vector<32x512xf32>
    %dot_general3A_326 = tpu.matmul %select_n3A_299, %get3A_324, %dot_general3A_325 {dimension_numbers = #tpu.dot_dimension_numbers<[1], [1], [0], [0], [0, 0, 1, 0], [], []>, transpose_lhs_hint = false} : vector<32x512xf32>, vector<512x512xf32>, vector<32x512xf32> -> vector<32x512xf32>
    %broadcast_in_dim3A_327 = arith.constant 0.000000e+00 : f32
    %broadcast_in_dim3A_328 = vector.broadcast %broadcast_in_dim3A_327 : f32 to vector<32x256xf32>
    %slice3A_329 = vector.extract_strided_slice %dot_general3A_326 {offsets = [0, 0], sizes = [32, 64], strides = [1, 1]} : vector<32x512xf32> to vector<32x64xf32>
    %slice3A_330 = vector.extract_strided_slice %add3A_321 {offsets = [0, 0], sizes = [256, 64], strides = [1, 1]} : vector<256x512xf32> to vector<256x64xf32>
    %dot_general3A_331 = arith.constant dense<0.000000e+00> : vector<32x256xf32>
    %dot_general3A_332 = tpu.matmul %slice3A_329, %slice3A_330, %dot_general3A_331 {dimension_numbers = #tpu.dot_dimension_numbers<[1], [1], [0], [0], [0, 0, 1, 0], [], []>, transpose_lhs_hint = false} : vector<32x64xf32>, vector<256x64xf32>, vector<32x256xf32> -> vector<32x256xf32>
    %mul3A_333 = arith.constant 1.250000e-01 : f32
    %mul3A_334 = vector.broadcast %mul3A_333 : f32 to vector<32x256xf32>
    %mul3A_335 = arith.mulf %dot_general3A_332, %mul3A_334 : vector<32x256xf32>
    %reduce_max3A = arith.constant dense<0xFF800000> : vector<32xf32>
    %reduce_max3A_336 = vector.multi_reduction <maximumf>, %mul3A_335, %reduce_max3A [1] : vector<32x256xf32> to vector<32xf32>
    %broadcast_in_dim3A_337 = vector.shape_cast %reduce_max3A_336 : vector<32xf32> to vector<32x1xf32>
    %sub3A_338 = vector.broadcast %broadcast_in_dim3A_337 : vector<32x1xf32> to vector<32x256xf32>
    %sub3A_339 = arith.subf %mul3A_335, %sub3A_338 : vector<32x256xf32>
    %exp3A_340 = math.exp %sub3A_339 : vector<32x256xf32>
    %reduce_sum3A = arith.constant dense<0.000000e+00> : vector<32xf32>
    %reduce_sum3A_341 = vector.multi_reduction <add>, %exp3A_340, %reduce_sum3A [1] : vector<32x256xf32> to vector<32xf32>
    %broadcast_in_dim3A_342 = vector.shape_cast %reduce_sum3A_341 : vector<32xf32> to vector<32x1xf32>
    %div3A_343 = vector.broadcast %broadcast_in_dim3A_342 : vector<32x1xf32> to vector<32x256xf32>
    %div3A_344 = arith.divf %exp3A_340, %div3A_343 : vector<32x256xf32>
    %add3A_345 = arith.addf %broadcast_in_dim3A_328, %div3A_344 : vector<32x256xf32>
    %slice3A_346 = vector.extract_strided_slice %dot_general3A_326 {offsets = [0, 64], sizes = [32, 64], strides = [1, 1]} : vector<32x512xf32> to vector<32x64xf32>
    %slice3A_347 = vector.extract_strided_slice %add3A_321 {offsets = [0, 64], sizes = [256, 64], strides = [1, 1]} : vector<256x512xf32> to vector<256x64xf32>
    %dot_general3A_348 = arith.constant dense<0.000000e+00> : vector<32x256xf32>
    %dot_general3A_349 = tpu.matmul %slice3A_346, %slice3A_347, %dot_general3A_348 {dimension_numbers = #tpu.dot_dimension_numbers<[1], [1], [0], [0], [0, 0, 1, 0], [], []>, transpose_lhs_hint = false} : vector<32x64xf32>, vector<256x64xf32>, vector<32x256xf32> -> vector<32x256xf32>
    %mul3A_350 = arith.constant 1.250000e-01 : f32
    %mul3A_351 = vector.broadcast %mul3A_350 : f32 to vector<32x256xf32>
    %mul3A_352 = arith.mulf %dot_general3A_349, %mul3A_351 : vector<32x256xf32>
    %reduce_max3A_353 = arith.constant dense<0xFF800000> : vector<32xf32>
    %reduce_max3A_354 = vector.multi_reduction <maximumf>, %mul3A_352, %reduce_max3A_353 [1] : vector<32x256xf32> to vector<32xf32>
    %broadcast_in_dim3A_355 = vector.shape_cast %reduce_max3A_354 : vector<32xf32> to vector<32x1xf32>
    %sub3A_356 = vector.broadcast %broadcast_in_dim3A_355 : vector<32x1xf32> to vector<32x256xf32>
    %sub3A_357 = arith.subf %mul3A_352, %sub3A_356 : vector<32x256xf32>
    %exp3A_358 = math.exp %sub3A_357 : vector<32x256xf32>
    %reduce_sum3A_359 = arith.constant dense<0.000000e+00> : vector<32xf32>
    %reduce_sum3A_360 = vector.multi_reduction <add>, %exp3A_358, %reduce_sum3A_359 [1] : vector<32x256xf32> to vector<32xf32>
    %broadcast_in_dim3A_361 = vector.shape_cast %reduce_sum3A_360 : vector<32xf32> to vector<32x1xf32>
    %div3A_362 = vector.broadcast %broadcast_in_dim3A_361 : vector<32x1xf32> to vector<32x256xf32>
    %div3A_363 = arith.divf %exp3A_358, %div3A_362 : vector<32x256xf32>
    %add3A_364 = arith.addf %add3A_345, %div3A_363 : vector<32x256xf32>
    %slice3A_365 = vector.extract_strided_slice %dot_general3A_326 {offsets = [0, 128], sizes = [32, 64], strides = [1, 1]} : vector<32x512xf32> to vector<32x64xf32>
    %slice3A_366 = vector.extract_strided_slice %add3A_321 {offsets = [0, 128], sizes = [256, 64], strides = [1, 1]} : vector<256x512xf32> to vector<256x64xf32>
    %dot_general3A_367 = arith.constant dense<0.000000e+00> : vector<32x256xf32>
    %dot_general3A_368 = tpu.matmul %slice3A_365, %slice3A_366, %dot_general3A_367 {dimension_numbers = #tpu.dot_dimension_numbers<[1], [1], [0], [0], [0, 0, 1, 0], [], []>, transpose_lhs_hint = false} : vector<32x64xf32>, vector<256x64xf32>, vector<32x256xf32> -> vector<32x256xf32>
    %mul3A_369 = arith.constant 1.250000e-01 : f32
    %mul3A_370 = vector.broadcast %mul3A_369 : f32 to vector<32x256xf32>
    %mul3A_371 = arith.mulf %dot_general3A_368, %mul3A_370 : vector<32x256xf32>
    %reduce_max3A_372 = arith.constant dense<0xFF800000> : vector<32xf32>
    %reduce_max3A_373 = vector.multi_reduction <maximumf>, %mul3A_371, %reduce_max3A_372 [1] : vector<32x256xf32> to vector<32xf32>
    %broadcast_in_dim3A_374 = vector.shape_cast %reduce_max3A_373 : vector<32xf32> to vector<32x1xf32>
    %sub3A_375 = vector.broadcast %broadcast_in_dim3A_374 : vector<32x1xf32> to vector<32x256xf32>
    %sub3A_376 = arith.subf %mul3A_371, %sub3A_375 : vector<32x256xf32>
    %exp3A_377 = math.exp %sub3A_376 : vector<32x256xf32>
    %reduce_sum3A_378 = arith.constant dense<0.000000e+00> : vector<32xf32>
    %reduce_sum3A_379 = vector.multi_reduction <add>, %exp3A_377, %reduce_sum3A_378 [1] : vector<32x256xf32> to vector<32xf32>
    %broadcast_in_dim3A_380 = vector.shape_cast %reduce_sum3A_379 : vector<32xf32> to vector<32x1xf32>
    %div3A_381 = vector.broadcast %broadcast_in_dim3A_380 : vector<32x1xf32> to vector<32x256xf32>
    %div3A_382 = arith.divf %exp3A_377, %div3A_381 : vector<32x256xf32>
    %add3A_383 = arith.addf %add3A_364, %div3A_382 : vector<32x256xf32>
    %slice3A_384 = vector.extract_strided_slice %dot_general3A_326 {offsets = [0, 192], sizes = [32, 64], strides = [1, 1]} : vector<32x512xf32> to vector<32x64xf32>
    %slice3A_385 = vector.extract_strided_slice %add3A_321 {offsets = [0, 192], sizes = [256, 64], strides = [1, 1]} : vector<256x512xf32> to vector<256x64xf32>
    %dot_general3A_386 = arith.constant dense<0.000000e+00> : vector<32x256xf32>
    %dot_general3A_387 = tpu.matmul %slice3A_384, %slice3A_385, %dot_general3A_386 {dimension_numbers = #tpu.dot_dimension_numbers<[1], [1], [0], [0], [0, 0, 1, 0], [], []>, transpose_lhs_hint = false} : vector<32x64xf32>, vector<256x64xf32>, vector<32x256xf32> -> vector<32x256xf32>
    %mul3A_388 = arith.constant 1.250000e-01 : f32
    %mul3A_389 = vector.broadcast %mul3A_388 : f32 to vector<32x256xf32>
    %mul3A_390 = arith.mulf %dot_general3A_387, %mul3A_389 : vector<32x256xf32>
    %reduce_max3A_391 = arith.constant dense<0xFF800000> : vector<32xf32>
    %reduce_max3A_392 = vector.multi_reduction <maximumf>, %mul3A_390, %reduce_max3A_391 [1] : vector<32x256xf32> to vector<32xf32>
    %broadcast_in_dim3A_393 = vector.shape_cast %reduce_max3A_392 : vector<32xf32> to vector<32x1xf32>
    %sub3A_394 = vector.broadcast %broadcast_in_dim3A_393 : vector<32x1xf32> to vector<32x256xf32>
    %sub3A_395 = arith.subf %mul3A_390, %sub3A_394 : vector<32x256xf32>
    %exp3A_396 = math.exp %sub3A_395 : vector<32x256xf32>
    %reduce_sum3A_397 = arith.constant dense<0.000000e+00> : vector<32xf32>
    %reduce_sum3A_398 = vector.multi_reduction <add>, %exp3A_396, %reduce_sum3A_397 [1] : vector<32x256xf32> to vector<32xf32>
    %broadcast_in_dim3A_399 = vector.shape_cast %reduce_sum3A_398 : vector<32xf32> to vector<32x1xf32>
    %div3A_400 = vector.broadcast %broadcast_in_dim3A_399 : vector<32x1xf32> to vector<32x256xf32>
    %div3A_401 = arith.divf %exp3A_396, %div3A_400 : vector<32x256xf32>
    %add3A_402 = arith.addf %add3A_383, %div3A_401 : vector<32x256xf32>
    %slice3A_403 = vector.extract_strided_slice %dot_general3A_326 {offsets = [0, 256], sizes = [32, 64], strides = [1, 1]} : vector<32x512xf32> to vector<32x64xf32>
    %slice3A_404 = vector.extract_strided_slice %add3A_321 {offsets = [0, 256], sizes = [256, 64], strides = [1, 1]} : vector<256x512xf32> to vector<256x64xf32>
    %dot_general3A_405 = arith.constant dense<0.000000e+00> : vector<32x256xf32>
    %dot_general3A_406 = tpu.matmul %slice3A_403, %slice3A_404, %dot_general3A_405 {dimension_numbers = #tpu.dot_dimension_numbers<[1], [1], [0], [0], [0, 0, 1, 0], [], []>, transpose_lhs_hint = false} : vector<32x64xf32>, vector<256x64xf32>, vector<32x256xf32> -> vector<32x256xf32>
    %mul3A_407 = arith.constant 1.250000e-01 : f32
    %mul3A_408 = vector.broadcast %mul3A_407 : f32 to vector<32x256xf32>
    %mul3A_409 = arith.mulf %dot_general3A_406, %mul3A_408 : vector<32x256xf32>
    %reduce_max3A_410 = arith.constant dense<0xFF800000> : vector<32xf32>
    %reduce_max3A_411 = vector.multi_reduction <maximumf>, %mul3A_409, %reduce_max3A_410 [1] : vector<32x256xf32> to vector<32xf32>
    %broadcast_in_dim3A_412 = vector.shape_cast %reduce_max3A_411 : vector<32xf32> to vector<32x1xf32>
    %sub3A_413 = vector.broadcast %broadcast_in_dim3A_412 : vector<32x1xf32> to vector<32x256xf32>
    %sub3A_414 = arith.subf %mul3A_409, %sub3A_413 : vector<32x256xf32>
    %exp3A_415 = math.exp %sub3A_414 : vector<32x256xf32>
    %reduce_sum3A_416 = arith.constant dense<0.000000e+00> : vector<32xf32>
    %reduce_sum3A_417 = vector.multi_reduction <add>, %exp3A_415, %reduce_sum3A_416 [1] : vector<32x256xf32> to vector<32xf32>
    %broadcast_in_dim3A_418 = vector.shape_cast %reduce_sum3A_417 : vector<32xf32> to vector<32x1xf32>
    %div3A_419 = vector.broadcast %broadcast_in_dim3A_418 : vector<32x1xf32> to vector<32x256xf32>
    %div3A_420 = arith.divf %exp3A_415, %div3A_419 : vector<32x256xf32>
    %add3A_421 = arith.addf %add3A_402, %div3A_420 : vector<32x256xf32>
    %slice3A_422 = vector.extract_strided_slice %dot_general3A_326 {offsets = [0, 320], sizes = [32, 64], strides = [1, 1]} : vector<32x512xf32> to vector<32x64xf32>
    %slice3A_423 = vector.extract_strided_slice %add3A_321 {offsets = [0, 320], sizes = [256, 64], strides = [1, 1]} : vector<256x512xf32> to vector<256x64xf32>
    %dot_general3A_424 = arith.constant dense<0.000000e+00> : vector<32x256xf32>
    %dot_general3A_425 = tpu.matmul %slice3A_422, %slice3A_423, %dot_general3A_424 {dimension_numbers = #tpu.dot_dimension_numbers<[1], [1], [0], [0], [0, 0, 1, 0], [], []>, transpose_lhs_hint = false} : vector<32x64xf32>, vector<256x64xf32>, vector<32x256xf32> -> vector<32x256xf32>
    %mul3A_426 = arith.constant 1.250000e-01 : f32
    %mul3A_427 = vector.broadcast %mul3A_426 : f32 to vector<32x256xf32>
    %mul3A_428 = arith.mulf %dot_general3A_425, %mul3A_427 : vector<32x256xf32>
    %reduce_max3A_429 = arith.constant dense<0xFF800000> : vector<32xf32>
    %reduce_max3A_430 = vector.multi_reduction <maximumf>, %mul3A_428, %reduce_max3A_429 [1] : vector<32x256xf32> to vector<32xf32>
    %broadcast_in_dim3A_431 = vector.shape_cast %reduce_max3A_430 : vector<32xf32> to vector<32x1xf32>
    %sub3A_432 = vector.broadcast %broadcast_in_dim3A_431 : vector<32x1xf32> to vector<32x256xf32>
    %sub3A_433 = arith.subf %mul3A_428, %sub3A_432 : vector<32x256xf32>
    %exp3A_434 = math.exp %sub3A_433 : vector<32x256xf32>
    %reduce_sum3A_435 = arith.constant dense<0.000000e+00> : vector<32xf32>
    %reduce_sum3A_436 = vector.multi_reduction <add>, %exp3A_434, %reduce_sum3A_435 [1] : vector<32x256xf32> to vector<32xf32>
    %broadcast_in_dim3A_437 = vector.shape_cast %reduce_sum3A_436 : vector<32xf32> to vector<32x1xf32>
    %div3A_438 = vector.broadcast %broadcast_in_dim3A_437 : vector<32x1xf32> to vector<32x256xf32>
    %div3A_439 = arith.divf %exp3A_434, %div3A_438 : vector<32x256xf32>
    %add3A_440 = arith.addf %add3A_421, %div3A_439 : vector<32x256xf32>
    %slice3A_441 = vector.extract_strided_slice %dot_general3A_326 {offsets = [0, 384], sizes = [32, 64], strides = [1, 1]} : vector<32x512xf32> to vector<32x64xf32>
    %slice3A_442 = vector.extract_strided_slice %add3A_321 {offsets = [0, 384], sizes = [256, 64], strides = [1, 1]} : vector<256x512xf32> to vector<256x64xf32>
    %dot_general3A_443 = arith.constant dense<0.000000e+00> : vector<32x256xf32>
    %dot_general3A_444 = tpu.matmul %slice3A_441, %slice3A_442, %dot_general3A_443 {dimension_numbers = #tpu.dot_dimension_numbers<[1], [1], [0], [0], [0, 0, 1, 0], [], []>, transpose_lhs_hint = false} : vector<32x64xf32>, vector<256x64xf32>, vector<32x256xf32> -> vector<32x256xf32>
    %mul3A_445 = arith.constant 1.250000e-01 : f32
    %mul3A_446 = vector.broadcast %mul3A_445 : f32 to vector<32x256xf32>
    %mul3A_447 = arith.mulf %dot_general3A_444, %mul3A_446 : vector<32x256xf32>
    %reduce_max3A_448 = arith.constant dense<0xFF800000> : vector<32xf32>
    %reduce_max3A_449 = vector.multi_reduction <maximumf>, %mul3A_447, %reduce_max3A_448 [1] : vector<32x256xf32> to vector<32xf32>
    %broadcast_in_dim3A_450 = vector.shape_cast %reduce_max3A_449 : vector<32xf32> to vector<32x1xf32>
    %sub3A_451 = vector.broadcast %broadcast_in_dim3A_450 : vector<32x1xf32> to vector<32x256xf32>
    %sub3A_452 = arith.subf %mul3A_447, %sub3A_451 : vector<32x256xf32>
    %exp3A_453 = math.exp %sub3A_452 : vector<32x256xf32>
    %reduce_sum3A_454 = arith.constant dense<0.000000e+00> : vector<32xf32>
    %reduce_sum3A_455 = vector.multi_reduction <add>, %exp3A_453, %reduce_sum3A_454 [1] : vector<32x256xf32> to vector<32xf32>
    %broadcast_in_dim3A_456 = vector.shape_cast %reduce_sum3A_455 : vector<32xf32> to vector<32x1xf32>
    %div3A_457 = vector.broadcast %broadcast_in_dim3A_456 : vector<32x1xf32> to vector<32x256xf32>
    %div3A_458 = arith.divf %exp3A_453, %div3A_457 : vector<32x256xf32>
    %add3A_459 = arith.addf %add3A_440, %div3A_458 : vector<32x256xf32>
    %slice3A_460 = vector.extract_strided_slice %dot_general3A_326 {offsets = [0, 448], sizes = [32, 64], strides = [1, 1]} : vector<32x512xf32> to vector<32x64xf32>
    %slice3A_461 = vector.extract_strided_slice %add3A_321 {offsets = [0, 448], sizes = [256, 64], strides = [1, 1]} : vector<256x512xf32> to vector<256x64xf32>
    %dot_general3A_462 = arith.constant dense<0.000000e+00> : vector<32x256xf32>
    %dot_general3A_463 = tpu.matmul %slice3A_460, %slice3A_461, %dot_general3A_462 {dimension_numbers = #tpu.dot_dimension_numbers<[1], [1], [0], [0], [0, 0, 1, 0], [], []>, transpose_lhs_hint = false} : vector<32x64xf32>, vector<256x64xf32>, vector<32x256xf32> -> vector<32x256xf32>
    %mul3A_464 = arith.constant 1.250000e-01 : f32
    %mul3A_465 = vector.broadcast %mul3A_464 : f32 to vector<32x256xf32>
    %mul3A_466 = arith.mulf %dot_general3A_463, %mul3A_465 : vector<32x256xf32>
    %reduce_max3A_467 = arith.constant dense<0xFF800000> : vector<32xf32>
    %reduce_max3A_468 = vector.multi_reduction <maximumf>, %mul3A_466, %reduce_max3A_467 [1] : vector<32x256xf32> to vector<32xf32>
    %broadcast_in_dim3A_469 = vector.shape_cast %reduce_max3A_468 : vector<32xf32> to vector<32x1xf32>
    %sub3A_470 = vector.broadcast %broadcast_in_dim3A_469 : vector<32x1xf32> to vector<32x256xf32>
    %sub3A_471 = arith.subf %mul3A_466, %sub3A_470 : vector<32x256xf32>
    %exp3A_472 = math.exp %sub3A_471 : vector<32x256xf32>
    %reduce_sum3A_473 = arith.constant dense<0.000000e+00> : vector<32xf32>
    %reduce_sum3A_474 = vector.multi_reduction <add>, %exp3A_472, %reduce_sum3A_473 [1] : vector<32x256xf32> to vector<32xf32>
    %broadcast_in_dim3A_475 = vector.shape_cast %reduce_sum3A_474 : vector<32xf32> to vector<32x1xf32>
    %div3A_476 = vector.broadcast %broadcast_in_dim3A_475 : vector<32x1xf32> to vector<32x256xf32>
    %div3A_477 = arith.divf %exp3A_472, %div3A_476 : vector<32x256xf32>
    %add3A_478 = arith.addf %add3A_459, %div3A_477 : vector<32x256xf32>
    %mul3A_479 = arith.constant 1.250000e-01 : f32
    %mul3A_480 = vector.broadcast %mul3A_479 : f32 to vector<32x256xf32>
    %mul3A_481 = arith.mulf %add3A_478, %mul3A_480 : vector<32x256xf32>
    %iota3A_482 = tpu.iota {dimensions = array<i32: 1>} : vector<1x256xi32>
    %convert_element_type3A_483 = arith.sitofp %iota3A_482 : vector<1x256xi32> to vector<1x256xf32>
    %div3A_484 = vector.broadcast %max3A_307 : f32 to vector<1x256xf32>
    %div3A_485 = arith.divf %convert_element_type3A_483, %div3A_484 : vector<1x256xf32>
    %mul3A_486 = vector.broadcast %div3A_485 : vector<1x256xf32> to vector<32x256xf32>
    %mul3A_487 = arith.mulf %mul3A_481, %mul3A_486 : vector<32x256xf32>
    %reduce_sum3A_488 = arith.constant dense<0.000000e+00> : vector<32xf32>
    %reduce_sum3A_489 = vector.multi_reduction <add>, %mul3A_487, %reduce_sum3A_488 [1] : vector<32x256xf32> to vector<32xf32>
    %broadcast_in_dim3A_490 = vector.shape_cast %reduce_sum3A_489 : vector<32xf32> to vector<32x1xf32>
    %iota3A_491 = tpu.iota {dimensions = array<i32: 1>} : vector<32x64xi32>
    %broadcast_in_dim3A_492 = arith.constant 0.000000e+00 : f32
    %broadcast_in_dim3A_493 = vector.broadcast %broadcast_in_dim3A_492 : f32 to vector<1x1xf32>
    %slice3A_494 = vector.extract_strided_slice %broadcast_in_dim3A_490 {offsets = [0, 0], sizes = [31, 1], strides = [1, 1]} : vector<32x1xf32> to vector<31x1xf32>
    %concatenate3A = tpu.concatenate %broadcast_in_dim3A_493, %slice3A_494 in 0 : vector<1x1xf32>, vector<31x1xf32> -> vector<32x1xf32>
    %eq3A_495 = arith.constant 0 : i32
    %eq3A_496 = vector.broadcast %eq3A_495 : i32 to vector<32x64xi32>
    %eq3A_497 = arith.cmpi eq, %iota3A_491, %eq3A_496 : vector<32x64xi32>
    %jit3A_498 = arith.constant 0.000000e+00 : f32
    %broadcast_in_dim3A_499 = vector.shape_cast %concatenate3A : vector<32x1xf32> to vector<32x1xf32>
    %broadcast_in_dim3A_500 = vector.broadcast %broadcast_in_dim3A_499 : vector<32x1xf32> to vector<32x64xf32>
    %broadcast_in_dim3A_501 = vector.broadcast %jit3A_498 : f32 to vector<32x64xf32>
    %select_n3A_502 = arith.select %eq3A_497, %broadcast_in_dim3A_500, %broadcast_in_dim3A_501 : vector<32x64xi1>, vector<32x64xf32>
    %swap3A = arith.constant 0 : index
    %swap3A_503 = arith.constant 0 : index
    %swap3A_504 = arith.constant 0 : index
    %swap3A_505 = vector.load %arg14[%swap3A, %swap3A_503, %swap3A_504] : memref<1x32x64xf32, #tpu.memory_space<vmem>>, vector<1x32x64xf32>
    %swap3A_506 = vector.shape_cast %swap3A_505 : vector<1x32x64xf32> to vector<32x64xf32>
    %swap3A_507 = vector.shape_cast %select_n3A_502 : vector<32x64xf32> to vector<1x32x64xf32>
    tpu.vector_store %arg14[%swap3A, %swap3A_503, %swap3A_504], %swap3A_507 {strides = array<i32>} : memref<1x32x64xf32, #tpu.memory_space<vmem>>, vector<1x32x64xf32>,
    %swap3A_508 = arith.constant 0 : index
    %swap3A_509 = arith.constant 0 : index
    %swap3A_510 = arith.constant 0 : index
    %swap3A_511 = vector.load %arg15[%swap3A_508, %swap3A_509, %swap3A_510] : memref<1x32x512xf32, #tpu.memory_space<vmem>>, vector<1x32x512xf32>
    %swap3A_512 = vector.shape_cast %swap3A_511 : vector<1x32x512xf32> to vector<32x512xf32>
    %swap3A_513 = vector.shape_cast %select_n3A_299 : vector<32x512xf32> to vector<1x32x512xf32>
    tpu.vector_store %arg15[%swap3A_508, %swap3A_509, %swap3A_510], %swap3A_513 {strides = array<i32>} : memref<1x32x512xf32, #tpu.memory_space<vmem>>, vector<1x32x512xf32>,
    %convert_element_type3A_514 = arith.fptosi %add3A_166 : vector<32x64xf32> to vector<32x64xi32>
    %swap3A_515 = arith.constant 0 : index
    %swap3A_516 = arith.constant 0 : index
    %swap3A_517 = arith.constant 0 : index
    %swap3A_518 = vector.load %arg16[%swap3A_515, %swap3A_516, %swap3A_517] : memref<1x32x64xi32, #tpu.memory_space<vmem>>, vector<1x32x64xi32>
    %swap3A_519 = vector.shape_cast %swap3A_518 : vector<1x32x64xi32> to vector<32x64xi32>
    %swap3A_520 = vector.shape_cast %convert_element_type3A_514 : vector<32x64xi32> to vector<1x32x64xi32>
    tpu.vector_store %arg16[%swap3A_515, %swap3A_516, %swap3A_517], %swap3A_520 {strides = array<i32>} : memref<1x32x64xi32, #tpu.memory_space<vmem>>, vector<1x32x64xi32>,
    return
  }
  func.func @transform_0(%arg0: i32, %arg1: memref<6xi32, #tpu.memory_space<smem>>, %arg2: memref<6x2xi32, #tpu.memory_space<smem>>) -> (i32, i32, i32) {
    %c0_i32 = arith.constant 0 : i32
    %c0_i32_0 = arith.constant 0 : i32
    %c0_i32_1 = arith.constant 0 : i32
    return %arg0, %c0_i32, %c0_i32_0 : i32, i32, i32
  }
  func.func @transform_1(%arg0: i32, %arg1: memref<6xi32, #tpu.memory_space<smem>>, %arg2: memref<6x2xi32, #tpu.memory_space<smem>>) -> (i32, i32, i32) {
    %c0_i32 = arith.constant 0 : i32
    %c0_i32_0 = arith.constant 0 : i32
    %c0_i32_1 = arith.constant 0 : i32
    return %arg0, %c0_i32, %c0_i32_0 : i32, i32, i32
  }
  func.func @transform_2(%arg0: i32, %arg1: memref<6xi32, #tpu.memory_space<smem>>, %arg2: memref<6x2xi32, #tpu.memory_space<smem>>) -> (i32, i32, i32) {
    %c0_i32 = arith.constant 0 : i32
    %c0_i32_0 = arith.constant 0 : i32
    %c0_i32_1 = arith.constant 0 : i32
    return %arg0, %c0_i32, %c0_i32_0 : i32, i32, i32
  }
  func.func @transform_3(%arg0: i32, %arg1: memref<6xi32, #tpu.memory_space<smem>>, %arg2: memref<6x2xi32, #tpu.memory_space<smem>>) -> (i32, i32, i32) {
    %c0_i32 = arith.constant 0 : i32
    %c0_i32_0 = arith.constant 0 : i32
    %c0_i32_1 = arith.constant 0 : i32
    return %arg0, %c0_i32, %c0_i32_0 : i32, i32, i32
  }
  func.func @transform_4(%arg0: i32, %arg1: memref<6xi32, #tpu.memory_space<smem>>, %arg2: memref<6x2xi32, #tpu.memory_space<smem>>) -> (i32, i32, i32) {
    %get3A = arith.constant 2 : index
    %get3A_0 = memref.load %arg1[%get3A] : memref<6xi32, #tpu.memory_space<smem>>
    %jit3A = arith.constant 256 : i32
    %div3A = arith.divsi %get3A_0, %jit3A : i32
    %sign3A = arith.constant 0 : i32
    %sign3A_1 = arith.cmpi sgt, %get3A_0, %sign3A : i32
    %sign3A_2 = arith.extui %sign3A_1 : i1 to i32
    %sign3A_3 = arith.constant 0 : i32
    %sign3A_4 = arith.cmpi slt, %get3A_0, %sign3A_3 : i32
    %sign3A_5 = arith.extui %sign3A_4 : i1 to i32
    %sign3A_6 = arith.subi %sign3A_2, %sign3A_5 : i32
    %sign3A_7 = arith.constant 0 : i32
    %sign3A_8 = arith.cmpi sgt, %jit3A, %sign3A_7 : i32
    %sign3A_9 = arith.extui %sign3A_8 : i1 to i32
    %sign3A_10 = arith.constant 0 : i32
    %sign3A_11 = arith.cmpi slt, %jit3A, %sign3A_10 : i32
    %sign3A_12 = arith.extui %sign3A_11 : i1 to i32
    %sign3A_13 = arith.subi %sign3A_9, %sign3A_12 : i32
    %ne3A = arith.cmpi ne, %sign3A_6, %sign3A_13 : i32
    %rem3A = arith.remsi %get3A_0, %jit3A : i32
    %ne3A_14 = arith.constant 0 : i32
    %ne3A_15 = arith.cmpi ne, %rem3A, %ne3A_14 : i32
    %and3A = arith.andi %ne3A, %ne3A_15 : i1
    %sub3A = arith.constant 1 : i32
    %sub3A_16 = arith.subi %div3A, %sub3A : i32
    %select_n3A = arith.select %and3A, %sub3A_16, %div3A : i32
    %c0_i32 = arith.constant 0 : i32
    %c0_i32_17 = arith.constant 0 : i32
    return %arg0, %select_n3A, %c0_i32 : i32, i32, i32
  }
  func.func @transform_5(%arg0: i32, %arg1: memref<6xi32, #tpu.memory_space<smem>>, %arg2: memref<6x2xi32, #tpu.memory_space<smem>>) -> (i32, i32) {
    %c0_i32 = arith.constant 0 : i32
    %c0_i32_0 = arith.constant 0 : i32
    %c0_i32_1 = arith.constant 0 : i32
    return %c0_i32, %c0_i32_0 : i32, i32
  }
  func.func @transform_6(%arg0: i32, %arg1: memref<6xi32, #tpu.memory_space<smem>>, %arg2: memref<6x2xi32, #tpu.memory_space<smem>>) -> (i32, i32) {
    %c0_i32 = arith.constant 0 : i32
    %c0_i32_0 = arith.constant 0 : i32
    %c0_i32_1 = arith.constant 0 : i32
    return %c0_i32, %c0_i32_0 : i32, i32
  }
  func.func @transform_7(%arg0: i32, %arg1: memref<6xi32, #tpu.memory_space<smem>>, %arg2: memref<6x2xi32, #tpu.memory_space<smem>>) -> (i32, i32) {
    %c0_i32 = arith.constant 0 : i32
    %c0_i32_0 = arith.constant 0 : i32
    %c0_i32_1 = arith.constant 0 : i32
    return %c0_i32, %c0_i32_0 : i32, i32
  }
  func.func @transform_8(%arg0: i32, %arg1: memref<6xi32, #tpu.memory_space<smem>>, %arg2: memref<6x2xi32, #tpu.memory_space<smem>>) -> (i32, i32) {
    %c0_i32 = arith.constant 0 : i32
    %c0_i32_0 = arith.constant 0 : i32
    %c0_i32_1 = arith.constant 0 : i32
    return %c0_i32, %c0_i32_0 : i32, i32
  }
  func.func @transform_9(%arg0: i32, %arg1: memref<6xi32, #tpu.memory_space<smem>>, %arg2: memref<6x2xi32, #tpu.memory_space<smem>>) -> (i32, i32) {
    %c0_i32 = arith.constant 0 : i32
    %c0_i32_0 = arith.constant 0 : i32
    %c0_i32_1 = arith.constant 0 : i32
    return %c0_i32, %c0_i32_0 : i32, i32
  }
  func.func @transform_10(%arg0: i32, %arg1: memref<6xi32, #tpu.memory_space<smem>>, %arg2: memref<6x2xi32, #tpu.memory_space<smem>>) -> (i32, i32) {
    %c0_i32 = arith.constant 0 : i32
    %c0_i32_0 = arith.constant 0 : i32
    %c0_i32_1 = arith.constant 0 : i32
    return %c0_i32, %c0_i32_0 : i32, i32
  }
  func.func @transform_11(%arg0: i32, %arg1: memref<6xi32, #tpu.memory_space<smem>>, %arg2: memref<6x2xi32, #tpu.memory_space<smem>>) -> (i32, i32, i32) {
    %c0_i32 = arith.constant 0 : i32
    %c0_i32_0 = arith.constant 0 : i32
    %c0_i32_1 = arith.constant 0 : i32
    return %arg0, %c0_i32, %c0_i32_0 : i32, i32, i32
  }
  func.func @transform_12(%arg0: i32, %arg1: memref<6xi32, #tpu.memory_space<smem>>, %arg2: memref<6x2xi32, #tpu.memory_space<smem>>) -> (i32, i32, i32) {
    %c0_i32 = arith.constant 0 : i32
    %c0_i32_0 = arith.constant 0 : i32
    %c0_i32_1 = arith.constant 0 : i32
    return %arg0, %c0_i32, %c0_i32_0 : i32, i32, i32
  }
  func.func @transform_13(%arg0: i32, %arg1: memref<6xi32, #tpu.memory_space<smem>>, %arg2: memref<6x2xi32, #tpu.memory_space<smem>>) -> (i32, i32, i32) {
    %c0_i32 = arith.constant 0 : i32
    %c0_i32_0 = arith.constant 0 : i32
    %c0_i32_1 = arith.constant 0 : i32
    return %arg0, %c0_i32, %c0_i32_0 : i32, i32, i32
  }
}

</mosaic_0001>

<sc_bundles>
// kernel: kernel.4.cloned.1.call-start
scs
__scs_entry_jumppad:
0x0: {  	(pc) =	sbr.rel $0x88, $3  }
0x1: {  	(tag) =	ssettag $0x0;
	lr =	simm.s32 $0x1  }
0x2: {  	[smem:$0x3F95] =	sst lr;
	_ =	strace $0xD0000000  }
0x3: {  	_ = 	snop  }
0x4: {  	_ = 	snop  }
0x5: {  	_ = 	snop  }
0x6: {  	_ = 	snop  }
0x7: {  	_ = 	snop  }
__scs_overlays_trampoline_lowered:
0x8: {  	[smem:$0x3FA4] =	sst s0  }
0x9: {  	[smem:$0x3FA5] =	sst s1  }
0xa: {  	[smem:$0x3FA6] =	sst s2  }
0xb: {  	[smem:$0x3FA7] =	sst s3  }
0xc: {  	[smem:$0x3FA8] =	sst s4  }
0xd: {  	[smem:$0x3FA9] =	sst s5  }
0xe: {  	[smem:$0x3FAA] =	sst s6  }
0xf: {  	[smem:$0x3FAB] =	sst s7  }
0x10: {  	[smem:$0x3FAC] =	sst s8  }
0x11: {  	[smem:$0x3FAD] =	sst s9;
	s0 =	simm.s32 @!p0 $0x0  }
0x12: {  	s1 =	sld [smem:$0x3F93];
	s0 =	simm.s32 @p0 $0x1  }
0x13: {  	[smem:$0x3FAE] =	sst s0;
	s0 =	simm.s32 @!p1 $0x0  }
0x14: {  	s2 =	sld [smem:$0x3F92];
	s0 =	simm.s32 @p1 $0x1  }
0x15: {  	[smem:$0x3FAF] =	sst s0;
	s0 =	simm.s32 @!p2 $0x0  }
0x16: {  	s3 =	sld [smem:$0x3FDB];
	s0 =	simm.s32 @p2 $0x1  }
0x17: {  	s4 =	simm.s32 $0x1BF5;
	[smem:$0x3FB1] =	sst s0  }
0x18: {  	s0 =	sld [smem:$0x3F94];
	_ =	swait.ge [sflag:s4], $0x0  }
0x19: {  	s7 =	sld [smem:$0x3F95]  }
0x1a: {  	s8 =	sadd.s32 $0xFFFFE003, lr  }
0x1b: {  	s9 =	sadd.s32 $0xFFFFFEF7, lr;
	s5 =	simm.s32 $0xFFFFFFFF;
	p2 =	slt.u32 s8, $0xFFFFF086  }
0x1c: {  	p1 =	slt.u32 s9, $0xF7A;
	s5 =	simm.s32 @!p2 $0x0  }
0x1d: {  	s5 =	simm.s32 @p1 $0x1;
	p0 =	seq.s32 s7, s2  }
0x1e: {  	s7 =	smul.u32 @!p0 $0xF7A, s2;
	p2 =	seq.s32 @!p0 s5, $0x0  }
0x1f: {  	s9 =	smul.u32 $0xF7A, s1;
	s8 =	simm.s32 @!p0 $0x1BF5;
	p2 =	por !p2, p0  }
0x20: {  	[sflag:s8] =	ssyncset.s32 @!p0 $0xFFFFF086;
	s6 =	sadd.s32 @!p0 s3, s7;
	s7 =	simm.s32 @!p0 $0x108  }
0x21: {  	s3 =	sadd.s32 s3, s9;
	s6 =	sadd.s32 @!p0 $0x88, s6;
	s7 =	simm.s32 @p2 $0x1082  }
0x22: {  	[simem:s7], [sflag:s8] =	dma.local @!p0 [hbm:s6], $0xF7A  }
0x23: {  	s9 =	sor.u32 $0xD0000000, s2;
	s6 =	simm.s32 $0x108;
	_ =	swait.ge @!p0 [sflag:s8], $0x0  }
0x24: {  	s3 =	sadd.s32 $0x88, s3;
	s6 =	simm.s32 @!p1 $0x1082;
	[sflag:s4] =	ssyncset.s32 $0xFFFFF086  }
0x25: {  	[simem:s6], [sflag:s4] =	dma.local [hbm:s3], $0xF7A  }
0x26: {  	[smem:$0x3F95] =	sst s1;
	(tag) =	ssettag s2;
	_ =	strace s9  }
0x27: {  	s1 =	sld [smem:$0x3FA5]  }
0x28: {  	s2 =	sld [smem:$0x3FA6]  }
0x29: {  	s4 =	sld [smem:$0x3FA8]  }
0x2a: {  	p0 =	seq.s32 s5, $0x0;
	s5 =	sld [smem:$0x3FA9]  }
0x2b: {  	s6 =	sld [smem:$0x3FAA]  }
0x2c: {  	s7 =	sld [smem:$0x3FAB]  }
0x2d: {  	s3 =	simm.s32 $0x108;
	s8 =	sld [smem:$0x3FAC]  }
0x2e: {  	s3 =	simm.s32 @!p0 $0x1082;
	s9 =	sld [smem:$0x3FAD]  }
0x2f: {  	lr =	sadd.s32 s0, s3;
	s0 =	sld [smem:$0x3FA4]  }
0x30: {  	s3 =	sld [smem:$0x3FA7]  }
0x31: {  	[smem:$0x3FB0] =	sst s10  }
0x32: {  	s10 =	sld [smem:$0x3FAE];
	_ =	sdelay $0x3  }
0x33: {  	p0 =	seq.s32 s10, $0x1;
	s10 =	sld [smem:$0x3FB0];
	_ =	sdelay $0x3  }
0x34: {  	[smem:$0x3FB0] =	sst s10  }
0x35: {  	s10 =	sld [smem:$0x3FAF];
	_ =	sdelay $0x3  }
0x36: {  	p1 =	seq.s32 s10, $0x1;
	s10 =	sld [smem:$0x3FB0];
	_ =	sdelay $0x3  }
0x37: {  	[smem:$0x3FB0] =	sst s10  }
0x38: {  	s10 =	sld [smem:$0x3FB1]  }
0x39: {  	_ = 	snop;
	(pc) =	sbr.ind lr, $3  }
0x3a: {  	_ = 	snop  }
0x3b: {  	_ = 	snop  }
0x3c: {  	p2 =	seq.s32 s10, $0x1;
	s10 =	sld [smem:$0x3FB0]  }
0x3d: {  	_ =	shalt  }
0x3e: {  	_ =	shalt  }
0x3f: {  	_ =	shalt  }
0x40: {  	_ =	shalt  }
0x41: {  	_ =	shalt  }
0x42: {  	_ =	shalt  }
0x43: {  	_ =	shalt  }
0x44: {  	_ =	shalt  }
0x45: {  	_ =	shalt  }
0x46: {  	_ =	shalt  }
0x47: {  	_ =	shalt  }
0x48: {  	_ =	shalt  }
0x49: {  	_ =	shalt  }
0x4a: {  	_ =	shalt  }
0x4b: {  	_ =	shalt  }
0x4c: {  	_ =	shalt  }
0x4d: {  	_ =	shalt  }
0x4e: {  	_ =	shalt  }
0x4f: {  	_ =	shalt  }
0x50: {  	_ =	shalt  }
0x51: {  	_ =	shalt  }
0x52: {  	_ =	shalt  }
0x53: {  	_ =	shalt  }
0x54: {  	_ =	shalt  }
0x55: {  	_ =	shalt  }
0x56: {  	_ =	shalt  }
0x57: {  	_ =	shalt  }
0x58: {  	_ =	shalt  }
0x59: {  	_ =	shalt  }
0x5a: {  	_ =	shalt  }
0x5b: {  	_ =	shalt  }
0x5c: {  	_ =	shalt  }
0x5d: {  	_ =	shalt  }
0x5e: {  	_ =	shalt  }
0x5f: {  	_ =	shalt  }
0x60: {  	_ =	shalt  }
0x61: {  	_ =	shalt  }
0x62: {  	_ =	shalt  }
0x63: {  	_ =	shalt  }
0x64: {  	_ =	shalt  }
0x65: {  	_ =	shalt  }
0x66: {  	_ =	shalt  }
0x67: {  	_ =	shalt  }
0x68: {  	_ =	shalt  }
0x69: {  	_ =	shalt  }
0x6a: {  	_ =	shalt  }
0x6b: {  	_ =	shalt  }
0x6c: {  	_ =	shalt  }
0x6d: {  	_ =	shalt  }
0x6e: {  	_ =	shalt  }
0x6f: {  	_ =	shalt  }
0x70: {  	_ =	shalt  }
0x71: {  	_ =	shalt  }
0x72: {  	_ =	shalt  }
0x73: {  	_ =	shalt  }
0x74: {  	_ =	shalt  }
0x75: {  	_ =	shalt  }
0x76: {  	_ =	shalt  }
0x77: {  	_ =	shalt  }
0x78: {  	_ =	shalt  }
0x79: {  	_ =	shalt  }
0x7a: {  	_ =	shalt  }
0x7b: {  	_ =	shalt  }
0x7c: {  	_ =	shalt  }
0x7d: {  	_ =	shalt  }
0x7e: {  	_ =	shalt  }
0x7f: {  	_ =	shalt  }
0x80: {  	_ =	shalt  }
0x81: {  	_ =	shalt  }
0x82: {  	_ =	shalt  }
0x83: {  	_ =	shalt  }
0x84: {  	_ =	shalt  }
0x85: {  	_ =	shalt  }
0x86: {  	_ =	shalt  }
0x87: {  	_ =	shalt  }
.Lfunc_end0:
.L_simem_size_0:
called_computation_lowered:
.L_overlay_start_0:
0x88: {  	s2 =	sld [smem:$0x3FD9]  }
0x89: {  	s3 =	sld [smem:$0x3FFE];
	_ =	sdelay $0x1  }
0x8a: {  	s1 =	srdreg.scid  }
0x8b: {  	s0 =	sand.u32 $0x1, s1  }
0x8c: {  	s14 =	sshll.u32 s0, $0xA;
	s2 =	sadd.s32 s3, s2  }
0x8d: {  	s2 =	sadd.s32 s2, s14  }
0x8e: {  	[smem:$0x3FBC] =	sst s2  }
0x8f: {  	_ = 	snop  }
0x90: {  	s2 =	sld [smem:$0x3FD0];
	_ =	sdelay $0x2  }
0x91: {  	s15 =	simm.s32 $0xA;
	s4 =	simm.s32 $0x10  }
0x92: {  	[smem:s4], [sflag:s15] =	dma.local [hbm:s2], $0x1  }
0x93: {  	_ =	swait.eq [sflag:s15], $0x1  }
0x94: {  	[sflag:s15] =	ssyncset.done $0x0  }
0x95: {  	[sflag:s15] =	ssyncadd.s32 $0xFFFFFFFF  }
0x96: {  	s16 =	sld [smem:$0x11];
	(tm) =	ssettm $0x1  }
0x97: {  	s17 =	sld [smem:$0x3FFB];
	_ =	sdelay $0x3  }
0x98: {  	_ =	strace s17  }
0x99: {  	s3 =	sld [smem:$0x3FFC];
	_ =	sdelay $0x3  }
0x9a: {  	_ =	strace s3  }
0x9b: {  	s3 =	sld [smem:$0x3FFD];
	_ =	sdelay $0x3  }
0x9c: {  	_ =	strace s3  }
0x9d: {  	_ =	strace $0x8FFFFFFF  }
0x9e: {  	s18 =	sld [smem:$0x3FDB];
	_ =	sdelay $0x1  }
0x9f: {  	s19 =	simm.s32 $_scs_section_size  }
0xa0: {  	s5 =	simm.s32 $_size__tile_overlayer_lowered;
	s6 =	simm.s32 $_tile_overlayer_lowered  }
0xa1: {  	s22 =	simm.s32 $0x1BFF;
	s21 =	sshll.u32 s6, $0x1;
	s3 =	sadd.s32 s19, s18  }
0xa2: {  	s7 =	simm.s32 $0x0;
	s20 =	sshll.u32 s5, $0x1;
	s5 =	sadd.s32 s21, s3  }
0xa3: {  	[timem:s7], [sflag:s22] =	dma.local [hbm:s5], s20  }
0xa4: {  	_ =	swait.ge [sflag:s22], s20  }
0xa5: {  	s4 =	ssub.s32 $0x0, s20;
	[sflag:s22] =	ssyncset.done $0x0  }
0xa6: {  	[sflag:s22] =	ssyncadd.s32 s4;
	_ =	sdelay $0x1  }
0xa7: {  	s23 =	simm.s32 $0x1B8B  }
0xa8: {  	_ =	swait.ge [sflag:s23], $0x1  }
0xa9: {  	[sflag:s23] =	ssyncset.done $0x0  }
0xaa: {  	s25 =	simm.s32 $0x1B8E;
	s24 =	sld [smem:$0x3FFE];
	[sflag:s23] =	ssyncadd.s32 $0xFFFFFFFF  }
0xab: {  	s26 =	simm.s32 $execute0_lowered;
	[smem:$0x3FD2] =	sst s25  }
0xac: {  	s5 =	sshll.u32 s26, $0x1;
	_ =	strace $0x80000046;
	[dreg:$0x1] =	wrdreg $0xFFFFFFFF  }
0xad: {  	s28 =	simm.s32 $_size_execute0_lowered;
	s3 =	sadd.s32 s3, s5;
	[dreg:$0x0] =	wrdreg $0x0  }
0xae: {  	s5 =	sshll.u32 s28, $0x1;
	[dreg:$0x2] =	wrdreg s3  }
0xaf: {  	[dreg:$0x3] =	wrdreg s5  }
0xb0: {  	[dreg:$0x4] =	wrdreg $0xC0  }
0xb1: {  	_ =	task [dreg:s7], $0x5FFFF  }
0xb2: {  	[dreg:$0x1] =	wrdreg $0xFFFFFFFF  }
0xb3: {  	[dreg:$0x0] =	wrdreg $0x60  }
0xb4: {  	[dreg:$0x2] =	wrdreg s24  }
0xb5: {  	[dreg:$0x3] =	wrdreg s16  }
0xb6: {  	[dreg:$0x4] =	wrdreg $0x9  }
0xb7: {  	_ =	task.clear_ibuf [dreg:s7], $0x5FFFF;
	_ =	strace $0x90000046  }
0xb8: {  	s29 =	simm.s32 $0x9;
	_ =	strace $0x80000048  }
0xb9: {  	_ =	swait.ge [sflag:s29], $0x1  }
0xba: {  	[sflag:s29] =	ssyncadd.s32 $0xFFFFFFFF  }
0xbb: {  	_ =	strace $0x90000048  }
0xbc: {  	_ =	sfence  }
0xbd: {  	s30 =	sld [smem:$0x0];
	_ =	sdelay $0x2  }
0xbe: {  	s31 =	sshll.u32 s1, $0xD;
	s1 =	sshrl.u32 s1, $0x2  }
0xbf: {  	s3 =	sand.u32 $0x4000, s31;
	s1 =	sadd.s32 s1, s30  }
0xc0: {  	s0 =	sor.u32 s3, s0;
	s1 =	sshll.u32 s1, $0x11  }
0xc1: {  	s0 =	sor.u32 s1, s0  }
0xc2: {  	s0 =	sadd.s32 $0x8F2B, s0  }
0xc3: {  	[sflag:s0] =	ssyncadd.remote.s32 $0x1  }
0xc4: {  	_ =	sfence.sel $0xFFFF  }
0xc5: {  	[dreg:$0x0] =	wrdreg $0xFFFFFFFF;
	(pc) =	sbr.abs _section_cstart, $3  }
0xc6: {  	[dreg:$0x1] =	wrdreg $0xFFFFFFFF  }
0xc7: {  	_ =	task.clear_ibuf [dreg:s7], $0x2FFFF;
	_ =	strace $0x9FFFFFFF  }
0xc8: {  	(tm) =	ssettm $0x7FFFFFFF  }
0xc9: {  	_ =	shalt  }
tec
execute0_lowered:
.L_overlay_start_1:
0x0: {  	(tag) =	ssettag $0x1  }
0x1: {  	s6 =	rddreg [dreg:$0x0]  }
0x2: {  	s9 =	rddreg [dreg:$0x1]  }
0x3: {  	s2 =	simm.s32 $0x0;
	s3 =	srdreg.scid;
	s1 =	stileid.u32  }
0x4: {  	s12 =	simm.s32 $0x1;
	s13 =	simm.s32 $0x100;
	s14 =	simm.s32 $0x180  }
0x5: {  	s15 =	simm.s32 $0x200;
	s16 =	simm.s32 $0xA00;
	s17 =	simm.s32 $0x1200  }
0x6: {  	s18 =	simm.s32 $0x1A00;
	s20 =	simm.s32 $0x2A00;
	s21 =	simm.s32 $0x3200  }
0x7: {  	s28 =	simm.s32 $0x6200;
	s29 =	simm.s32 $0x6A00;
	s30 =	simm.s32 $0x7200  }
0x8: {  	s31 =	simm.s32 $0x7A00;
	[smem:$0x7FF] =	sst s2;
	s5 =	sand.u32 $0x1, s3  }
0x9: {  	s3 =	sadd.s32 $0x1800, s6;
	s8 =	sshll.u32 s1, $0x1;
	s4 =	sadd.s32 $0x2A00, s6  }
0xa: {  	s6 =	sadd.s32 $0x1900, s6;
	s7 =	ssub.s32 $0x2, s5;
	s8 =	sor.u32 s5, s8  }
0xb: {  	_ =	strace $0x80000047;
	s10 =	sshrl.u32 s7, $0x1;
	s22 =	sshll.u32 s8, $0x1  }
0xc: {  	s5 =	sand.u32 $0xF, s8;
	s11 =	sshll.u32 s8, $0x4;
	s19 =	sshll.u32 s8, $0x7  }
0xd: {  	s24 =	sshll.u32 s8, $0xD;
	s25 =	sshllo.u32 s8, $0x1;
	s10 =	ssub.s32 s7, s10  }
0xe: {  	p0 =	sne.s32 s5, $0x0;
	s23 =	sadd.s32 s4, s11;
	s5 =	simm.s32 $0x1  }
0xf: {  	s7 =	sadd.s32 s9, s24;
	s8 =	sshll.u32 s25, $0x3;
	s26 =	sshll.u32 s25, $0xC  }
0x10: {  	s11 =	simm.s32 $0x2;
	v0 =	vmov s19;
	s19 =	simm.s32 $0x2200;
	s24 =	simm.s32 $0x4A00  }
0x11: {  	v6 =	vlaneseq.u32;
	s12 =	simm.s32 @!p0 $0x0;
	[dreg:$0x3] =	wrdreg s23;
	s23 =	sshll.u32 s25, $0x6  }
0x12: {  	vm0 =	vmmov $0xffff;
	v4 =	vand.u32 $0x7, v6;
	s8 =	sadd.s32 s4, s8;
	s9 =	sadd.s32 s9, s26;
	s22 =	smul.u32 s22, s12  }
0x13: {  	v5 =	vshrl.u32 v6, $0x3;
	v6 =	vor.u32 $0x8, v6;
	v3 =	vmov s25;
	s10 =	smax.u32 s10, $0x1;
	s25 =	simm.s32 $0x5200;
	s26 =	simm.s32 $0x5A00  }
0x14: {  	v5 =	vmul.u32 $0x8, v5;
	s12 =	simm.s32 $0x10;
	v2 =	vmov s23;
	s23 =	simm.s32 $0x4200;
	v1 =	vmov s22;
	s22 =	simm.s32 $0x3A00  }
.LBB2_1:
0x15: {  	s0 =	rddreg [dreg:$0x3]  }
0x16: {  	[tilespmem:s2], [sflag:$0x2] =	stream.linear.gather [hbm4b:s0+s2], $0x80, $0x38;
	[tilespmem:$0x8200] =	vst v63  }
0x17: {  	_ =	swait.ge [sflag:s11], $0x80  }
0x18: {  	[sflag:s11] =	ssyncset.done $0x0  }
0x19: {  	[sflag:s11] =	ssyncadd.s32 $0xFFFFFF80  }
0x1a: {  	[tilespmem:$0x100] =	vst v0  }
0x1b: {  	[tilespmem:s14], [sflag:$0x1] =	stream.indirect.gather [hbm4b:s4+s12], $0x1, s13, s12, $0xb8;
	[tilespmem:$0x8200] =	vst v63  }
0x1c: {  	_ =	swait.ge [sflag:s5], $0x10  }
0x1d: {  	[sflag:s5] =	ssyncset.done $0x0  }
0x1e: {  	[sflag:s5] =	ssyncadd.s32 $0xFFFFFFF0  }
0x1f: {  	v7 =	vld [tilespmem:$0x180]  }
0x20: {  	v8 =	vld [tilespmem:$0x40];
	_ =	sdelay $0x3  }
0x21: {  	v7 =	vadd.s32 $0x1, v7  }
0x22: {  	v9 =	vld [tilespmem:$0x50];
	v8 =	vsub.s32 v8, v7  }
0x23: {  	v47 =	vld [tilespmem:$0x60];
	v10 =	vsub.s32 $0x0, v8  }
0x24: {  	v12 =	vld [tilespmem:$0x70];
	v8 =	vmin.u32 v8, v10  }
0x25: {  	vm1 =	vlt.s32 v8, $0x1  }
0x26: {  	v8 =	vnsel vm1, $0x1, v8  }
0x27: {  	v9 =	vsub.s32 v9, v7;
	v8 =	vsub.s32 $0x1, v8  }
0x28: {  	v11 =	vsub.s32 $0x0, v9;
	v10 =	vsub.s32 v47, v7;
	v8 =	vmul.u32 v8, v1  }
0x29: {  	v9 =	vmin.u32 v9, v11;
	v7 =	vsub.s32 v12, v7;
	v48 =	vsub.s32 $0x0, v10  }
0x2a: {  	v50 =	vsub.s32 $0x0, v7;
	vm1 =	vlt.s32 v9, $0x1;
	v13 =	vshll.u32 v8, $0x2  }
0x2b: {  	v10 =	vmin.u32 v10, v48;
	v49 =	vand.u32 $0x6, v8;
	v13 =	vand.u32 $0xFFFFFFE0, v13  }
0x2c: {  	v7 =	vmin.u32 v7, v50;
	v9 =	vnsel vm1, $0x1, v9;
	v12 =	vor.u32 v49, v13  }
0x2d: {  	vm1 =	vlt.s32 v10, $0x1;
	v9 =	vsub.s32 $0x1, v9;
	v51 =	vperm.xlane v12, v4  }
0x2e: {  	v10 =	vnsel vm1, $0x1, v10;
	vm1 =	vlt.s32 v7, $0x1;
	v9 =	vmul.u32 v9, v1  }
0x2f: {  	v10 =	vsub.s32 $0x1, v10;
	v7 =	vnsel vm1, $0x1, v7;
	v11 =	vadd.s32 v5, v51  }
0x30: {  	[tilespmem:$0x80] =	vst v8;
	v8 =	vmul.u32 v10, v1;
	v7 =	vsub.s32 $0x1, v7  }
0x31: {  	[tilespmem:$0x90] =	vst v9;
	v7 =	vmul.u32 v7, v1;
	v52 =	vperm.xlane v12, v6  }
0x32: {  	[tilespmem:$0xA0] =	vst v8  }
0x33: {  	[tilespmem:$0xB0] =	vst v7;
	v7 =	vadd.s32 v5, v52  }
0x34: {  	[tilespmem:s15], [sflag:$0x1] =	stream.indirect_vreg.gather [hbm4b:s3+s2], $0x80, v11, vm0, $0xb8;
	[tilespmem:$0x8200] =	vst v63  }
0x35: {  	_ = 	snop  }
0x36: {  	[tilespmem:s16], [sflag:$0x1] =	stream.indirect_vreg.gather [hbm4b:s6+s2], $0x80, v11, vm0, $0xb8;
	[tilespmem:$0x8200] =	vst v63  }
0x37: {  	_ = 	snop  }
0x38: {  	[tilespmem:s17], [sflag:$0x1] =	stream.indirect_vreg.gather [hbm4b:s3+s2], $0x80, v7, vm0, $0xb8;
	[tilespmem:$0x8200] =	vst v63  }
0x39: {  	_ = 	snop  }
0x3a: {  	[tilespmem:s18], [sflag:$0x1] =	stream.indirect_vreg.gather [hbm4b:s6+s2], $0x80, v7, vm0, $0xb8;
	[tilespmem:$0x8200] =	vst v63  }
0x3b: {  	v7 =	vld [tilespmem:$0x90];
	_ =	sdelay $0x4  }
0x3c: {  	v8 =	vshll.u32 v7, $0x2  }
0x3d: {  	v7 =	vand.u32 $0x7, v7;
	v8 =	vand.u32 $0xFFFFFFE0, v8  }
0x3e: {  	v7 =	vor.u32 v7, v8  }
0x3f: {  	v8 =	vperm.xlane v7, v4;
	_ =	sdelay $0x1  }
0x40: {  	v8 =	vadd.s32 v5, v8;
	_ =	sdelay $0x1  }
0x41: {  	v7 =	vperm.xlane v7, v6;
	_ =	sdelay $0x1  }
0x42: {  	v7 =	vadd.s32 v5, v7  }
0x43: {  	[tilespmem:s19], [sflag:$0x1] =	stream.indirect_vreg.gather [hbm4b:s3+s2], $0x80, v8, vm0, $0xb8;
	[tilespmem:$0x8200] =	vst v63  }
0x44: {  	_ = 	snop  }
0x45: {  	[tilespmem:s20], [sflag:$0x1] =	stream.indirect_vreg.gather [hbm4b:s6+s2], $0x80, v8, vm0, $0xb8;
	[tilespmem:$0x8200] =	vst v63  }
0x46: {  	_ = 	snop  }
0x47: {  	[tilespmem:s21], [sflag:$0x1] =	stream.indirect_vreg.gather [hbm4b:s3+s2], $0x80, v7, vm0, $0xb8;
	[tilespmem:$0x8200] =	vst v63  }
0x48: {  	_ = 	snop  }
0x49: {  	[tilespmem:s22], [sflag:$0x1] =	stream.indirect_vreg.gather [hbm4b:s6+s2], $0x80, v7, vm0, $0xb8;
	[tilespmem:$0x8200] =	vst v63  }
0x4a: {  	v7 =	vld [tilespmem:$0xA0];
	_ =	sdelay $0x4  }
0x4b: {  	v8 =	vshll.u32 v7, $0x2  }
0x4c: {  	v7 =	vand.u32 $0x7, v7;
	v8 =	vand.u32 $0xFFFFFFE0, v8  }
0x4d: {  	v7 =	vor.u32 v7, v8  }
0x4e: {  	v8 =	vperm.xlane v7, v4;
	_ =	sdelay $0x1  }
0x4f: {  	v8 =	vadd.s32 v5, v8;
	_ =	sdelay $0x1  }
0x50: {  	v7 =	vperm.xlane v7, v6;
	_ =	sdelay $0x1  }
0x51: {  	v7 =	vadd.s32 v5, v7  }
0x52: {  	[tilespmem:s23], [sflag:$0x1] =	stream.indirect_vreg.gather [hbm4b:s3+s2], $0x80, v8, vm0, $0xb8;
	[tilespmem:$0x8200] =	vst v63  }
0x53: {  	_ = 	snop  }
0x54: {  	[tilespmem:s24], [sflag:$0x1] =	stream.indirect_vreg.gather [hbm4b:s6+s2], $0x80, v8, vm0, $0xb8;
	[tilespmem:$0x8200] =	vst v63  }
0x55: {  	_ = 	snop  }
0x56: {  	[tilespmem:s25], [sflag:$0x1] =	stream.indirect_vreg.gather [hbm4b:s3+s2], $0x80, v7, vm0, $0xb8;
	[tilespmem:$0x8200] =	vst v63  }
0x57: {  	_ = 	snop  }
0x58: {  	[tilespmem:s26], [sflag:$0x1] =	stream.indirect_vreg.gather [hbm4b:s6+s2], $0x80, v7, vm0, $0xb8;
	[tilespmem:$0x8200] =	vst v63  }
0x59: {  	v7 =	vld [tilespmem:$0xB0];
	_ =	sdelay $0x4  }
0x5a: {  	v8 =	vshll.u32 v7, $0x2  }
0x5b: {  	v7 =	vand.u32 $0x7, v7;
	v8 =	vand.u32 $0xFFFFFFE0, v8  }
0x5c: {  	v7 =	vor.u32 v7, v8  }
0x5d: {  	v8 =	vperm.xlane v7, v4;
	_ =	sdelay $0x1  }
0x5e: {  	v8 =	vadd.s32 v5, v8;
	_ =	sdelay $0x1  }
0x5f: {  	v7 =	vperm.xlane v7, v6;
	_ =	sdelay $0x1  }
0x60: {  	v7 =	vadd.s32 v5, v7  }
0x61: {  	[tilespmem:s28], [sflag:$0x1] =	stream.indirect_vreg.gather [hbm4b:s3+s2], $0x80, v8, vm0, $0xb8;
	[tilespmem:$0x8200] =	vst v63  }
0x62: {  	_ = 	snop  }
0x63: {  	[tilespmem:s29], [sflag:$0x1] =	stream.indirect_vreg.gather [hbm4b:s6+s2], $0x80, v8, vm0, $0xb8;
	[tilespmem:$0x8200] =	vst v63  }
0x64: {  	_ = 	snop  }
0x65: {  	[tilespmem:s30], [sflag:$0x1] =	stream.indirect_vreg.gather [hbm4b:s3+s2], $0x80, v7, vm0, $0xb8;
	[tilespmem:$0x8200] =	vst v63  }
0x66: {  	_ = 	snop  }
0x67: {  	[tilespmem:s31], [sflag:$0x1] =	stream.indirect_vreg.gather [hbm4b:s6+s2], $0x80, v7, vm0, $0xb8;
	[tilespmem:$0x8200] =	vst v63  }
0x68: {  	_ =	swait.ge [sflag:s5], $0x8000  }
0x69: {  	[sflag:s5] =	ssyncset.done $0x0  }
0x6a: {  	[sflag:s5] =	ssyncadd.s32 $0xFFFF8000  }
0x6b: {  	[hbm4b:s7+s2] =	stream.linear.scatter [tilespmem:s15], [sflag:$0x2], $0x8000, $0x38;
	[tilespmem:$0x8200] =	vst v63  }
0x6c: {  	_ =	swait.ge [sflag:s11], $0x8000  }
0x6d: {  	[sflag:s11] =	ssyncset.done $0x0  }
0x6e: {  	[sflag:s11] =	ssyncadd.s32 $0xFFFF8000  }
0x6f: {  	[tilespmem:s2], [sflag:$0x2] =	stream.linear.gather [hbm4b:s8+s2], $0x80, $0x38;
	[tilespmem:$0x8200] =	vst v63  }
0x70: {  	_ =	swait.ge [sflag:s11], $0x80  }
0x71: {  	[sflag:s11] =	ssyncset.done $0x0  }
0x72: {  	[sflag:s11] =	ssyncadd.s32 $0xFFFFFF80  }
0x73: {  	[tilespmem:$0x100] =	vst v2  }
0x74: {  	[tilespmem:s14], [sflag:$0x1] =	stream.indirect.gather [hbm4b:s4+s12], $0x1, s13, s12, $0xb8;
	[tilespmem:$0x8200] =	vst v63  }
0x75: {  	_ =	swait.ge [sflag:s5], $0x10  }
0x76: {  	[sflag:s5] =	ssyncset.done $0x0  }
0x77: {  	[sflag:s5] =	ssyncadd.s32 $0xFFFFFFF0  }
0x78: {  	v7 =	vld [tilespmem:$0x180]  }
0x79: {  	v8 =	vld [tilespmem:$0x40];
	_ =	sdelay $0x3  }
0x7a: {  	v53 =	vld [tilespmem:$0x50];
	v7 =	vadd.s32 $0x1, v7  }
0x7b: {  	v55 =	vld [tilespmem:$0x60];
	v8 =	vsub.s32 v8, v7  }
0x7c: {  	v56 =	vld [tilespmem:$0x70];
	v54 =	vsub.s32 $0x0, v8  }
0x7d: {  	v8 =	vmin.u32 v8, v54  }
0x7e: {  	vm1 =	vlt.s32 v8, $0x1  }
0x7f: {  	v8 =	vnsel vm1, $0x1, v8  }
0x80: {  	v9 =	vsub.s32 v53, v7;
	v11 =	vsub.s32 v55, v7;
	v8 =	vsub.s32 $0x1, v8  }
0x81: {  	v7 =	vsub.s32 v56, v7;
	v57 =	vsub.s32 $0x0, v9;
	v8 =	vmul.u32 v3, v8  }
0x82: {  	v58 =	vsub.s32 $0x0, v11;
	v60 =	vsub.s32 $0x0, v7;
	v9 =	vmin.u32 v9, v57  }
0x83: {  	v11 =	vmin.u32 v11, v58;
	v7 =	vmin.u32 v7, v60;
	v59 =	vshll.u32 v8, $0x2  }
0x84: {  	vm2 =	vlt.s32 v7, $0x1;
	v61 =	vand.u32 $0x7, v8;
	v10 =	vand.u32 $0xFFFFFFE0, v59  }
0x85: {  	vm1 =	vlt.s32 v9, $0x1;
	v7 =	vnsel vm2, $0x1, v7;
	v10 =	vor.u32 v61, v10  }
0x86: {  	v9 =	vnsel vm1, $0x1, v9;
	vm1 =	vlt.s32 v11, $0x1;
	v62 =	vperm.xlane v10, v4  }
0x87: {  	v7 =	vsub.s32 $0x1, v7;
	v11 =	vnsel vm1, $0x1, v11  }
0x88: {  	v9 =	vsub.s32 $0x1, v9;
	v7 =	vmul.u32 v3, v7;
	v12 =	vadd.s32 v5, v62  }
0x89: {  	v9 =	vmul.u32 v3, v9;
	v11 =	vsub.s32 $0x1, v11;
	[tilespmem:$0x80] =	vst v8  }
0x8a: {  	v8 =	vmul.u32 v3, v11;
	[tilespmem:$0xB0] =	vst v7;
	v63 =	vperm.xlane v10, v6  }
0x8b: {  	[tilespmem:$0x90] =	vst v9  }
0x8c: {  	[tilespmem:$0xA0] =	vst v8;
	v7 =	vadd.s32 v5, v63  }
0x8d: {  	[tilespmem:s15], [sflag:$0x1] =	stream.indirect_vreg.gather [hbm4b:s3+s2], $0x80, v12, vm0, $0xb8;
	[tilespmem:$0x8200] =	vst v63  }
0x8e: {  	_ = 	snop  }
0x8f: {  	[tilespmem:s16], [sflag:$0x1] =	stream.indirect_vreg.gather [hbm4b:s6+s2], $0x80, v12, vm0, $0xb8;
	[tilespmem:$0x8200] =	vst v63  }
0x90: {  	_ = 	snop  }
0x91: {  	[tilespmem:s17], [sflag:$0x1] =	stream.indirect_vreg.gather [hbm4b:s3+s2], $0x80, v7, vm0, $0xb8;
	[tilespmem:$0x8200] =	vst v63  }
0x92: {  	_ = 	snop  }
0x93: {  	[tilespmem:s18], [sflag:$0x1] =	stream.indirect_vreg.gather [hbm4b:s6+s2], $0x80, v7, vm0, $0xb8;
	[tilespmem:$0x8200] =	vst v63  }
0x94: {  	v7 =	vld [tilespmem:$0x90];
	_ =	sdelay $0x4  }
0x95: {  	v8 =	vshll.u32 v7, $0x2  }
0x96: {  	v7 =	vand.u32 $0x7, v7;
	v8 =	vand.u32 $0xFFFFFFE0, v8  }
0x97: {  	v7 =	vor.u32 v7, v8  }
0x98: {  	v8 =	vperm.xlane v7, v4;
	_ =	sdelay $0x1  }
0x99: {  	v8 =	vadd.s32 v5, v8;
	_ =	sdelay $0x1  }
0x9a: {  	v7 =	vperm.xlane v7, v6;
	_ =	sdelay $0x1  }
0x9b: {  	v7 =	vadd.s32 v5, v7  }
0x9c: {  	[tilespmem:s19], [sflag:$0x1] =	stream.indirect_vreg.gather [hbm4b:s3+s2], $0x80, v8, vm0, $0xb8;
	[tilespmem:$0x8200] =	vst v63  }
0x9d: {  	_ = 	snop  }
0x9e: {  	[tilespmem:s20], [sflag:$0x1] =	stream.indirect_vreg.gather [hbm4b:s6+s2], $0x80, v8, vm0, $0xb8;
	[tilespmem:$0x8200] =	vst v63  }
0x9f: {  	_ = 	snop  }
0xa0: {  	[tilespmem:s21], [sflag:$0x1] =	stream.indirect_vreg.gather [hbm4b:s3+s2], $0x80, v7, vm0, $0xb8;
	[tilespmem:$0x8200] =	vst v63  }
0xa1: {  	_ = 	snop  }
0xa2: {  	[tilespmem:s22], [sflag:$0x1] =	stream.indirect_vreg.gather [hbm4b:s6+s2], $0x80, v7, vm0, $0xb8;
	[tilespmem:$0x8200] =	vst v63  }
0xa3: {  	v7 =	vld [tilespmem:$0xA0];
	_ =	sdelay $0x4  }
0xa4: {  	v8 =	vshll.u32 v7, $0x2  }
0xa5: {  	v7 =	vand.u32 $0x7, v7;
	v8 =	vand.u32 $0xFFFFFFE0, v8  }
0xa6: {  	v7 =	vor.u32 v7, v8  }
0xa7: {  	v8 =	vperm.xlane v7, v4;
	_ =	sdelay $0x1  }
0xa8: {  	v8 =	vadd.s32 v5, v8;
	_ =	sdelay $0x1  }
0xa9: {  	v7 =	vperm.xlane v7, v6;
	_ =	sdelay $0x1  }
0xaa: {  	v7 =	vadd.s32 v5, v7  }
0xab: {  	[tilespmem:s23], [sflag:$0x1] =	stream.indirect_vreg.gather [hbm4b:s3+s2], $0x80, v8, vm0, $0xb8;
	[tilespmem:$0x8200] =	vst v63  }
0xac: {  	_ = 	snop  }
0xad: {  	[tilespmem:s24], [sflag:$0x1] =	stream.indirect_vreg.gather [hbm4b:s6+s2], $0x80, v8, vm0, $0xb8;
	[tilespmem:$0x8200] =	vst v63  }
0xae: {  	_ = 	snop  }
0xaf: {  	[tilespmem:s25], [sflag:$0x1] =	stream.indirect_vreg.gather [hbm4b:s3+s2], $0x80, v7, vm0, $0xb8;
	[tilespmem:$0x8200] =	vst v63  }
0xb0: {  	_ = 	snop  }
0xb1: {  	[tilespmem:s26], [sflag:$0x1] =	stream.indirect_vreg.gather [hbm4b:s6+s2], $0x80, v7, vm0, $0xb8;
	[tilespmem:$0x8200] =	vst v63  }
0xb2: {  	v7 =	vld [tilespmem:$0xB0];
	_ =	sdelay $0x4  }
0xb3: {  	v8 =	vshll.u32 v7, $0x2  }
0xb4: {  	v7 =	vand.u32 $0x7, v7;
	v8 =	vand.u32 $0xFFFFFFE0, v8  }
0xb5: {  	v7 =	vor.u32 v7, v8  }
0xb6: {  	v8 =	vperm.xlane v7, v4;
	_ =	sdelay $0x1  }
0xb7: {  	v8 =	vadd.s32 v5, v8;
	_ =	sdelay $0x1  }
0xb8: {  	v7 =	vperm.xlane v7, v6;
	_ =	sdelay $0x1  }
0xb9: {  	v7 =	vadd.s32 v5, v7  }
0xba: {  	[tilespmem:s28], [sflag:$0x1] =	stream.indirect_vreg.gather [hbm4b:s3+s2], $0x80, v8, vm0, $0xb8;
	[tilespmem:$0x8200] =	vst v63  }
0xbb: {  	_ = 	snop  }
0xbc: {  	[tilespmem:s29], [sflag:$0x1] =	stream.indirect_vreg.gather [hbm4b:s6+s2], $0x80, v8, vm0, $0xb8;
	[tilespmem:$0x8200] =	vst v63  }
0xbd: {  	_ = 	snop  }
0xbe: {  	[tilespmem:s30], [sflag:$0x1] =	stream.indirect_vreg.gather [hbm4b:s3+s2], $0x80, v7, vm0, $0xb8;
	[tilespmem:$0x8200] =	vst v63  }
0xbf: {  	_ = 	snop  }
0xc0: {  	[tilespmem:s31], [sflag:$0x1] =	stream.indirect_vreg.gather [hbm4b:s6+s2], $0x80, v7, vm0, $0xb8;
	[tilespmem:$0x8200] =	vst v63  }
0xc1: {  	_ =	swait.ge [sflag:s5], $0x8000  }
0xc2: {  	p0 =	sne.s32 s10, $0x1;
	[sflag:s5] =	ssyncset.done $0x0  }
.Ltmp0:
0xc3: {  	[sflag:s5] =	ssyncadd.s32 $0xFFFF8000;
	(pc) =	sbr.rel @p0 .LBB2_1-.Ltmp0, $4  }
0xc4: {  	[hbm4b:s9+s2] =	stream.linear.scatter [tilespmem:s15], [sflag:$0x2], $0x8000, $0x38;
	[tilespmem:$0x8200] =	vst v63  }
0xc5: {  	_ =	swait.ge [sflag:s11], $0x8000  }
0xc6: {  	[sflag:s11] =	ssyncset.done $0x0  }
0xc7: {  	s10 =	sadd.s32 $0xFFFFFFFF, s10;
	[sflag:s11] =	ssyncadd.s32 $0xFFFF8000  }
0xc8: {  	_ =	sfence.sel $0x180000  }
0xc9: {  	[bflag:$0x0] =	sbarrier.arrive $0xFFFF  }
0xca: {  	_ =	strace $0x90000047  }
0xcb: {  	[bflag:$0x2] =	sbarrier.arrive $0xFFFF  }
0xcc: {  	p0 =	sne.s32 s1, $0x0;
	s0 =	rddreg [dreg:$0x2]  }
0xcd: {  	s0 =	sadd.s32 @!p0 $0x100000, s0  }
0xce: {  	[sflag:s0] =	ssyncadd.tile.s32 @!p0 $0x1;
	_ =	shalt  }
.Lfunc_end2:
_tile_overlayer_lowered:
.L_overlay_start_2:
0xcf: {  	(tag) =	ssettag $0x2  }
0xd0: {  	s0 =	rddreg [dreg:$0x0];
	s2 =	stileid.u32  }
0xd1: {  	s1 =	rddreg [dreg:$0x1];
	p0 =	sne.s32 s2, $0x0  }
0xd2: {  	s3 =	rddreg [dreg:$0x2];
	[bflag:$0x3] =	sbarrier.arrive $0xFFFF;
	s2 =	simm.s32 @!p0 $0x1C02  }
0xd3: {  	[timem:s3], [sflag:s2] =	dma.local @!p0 [hbm:s0], s1  }
0xd4: {  	s0 =	simm.s32 @!p0 $0x2  }
0xd5: {  	_ =	swait.ge @!p0 [sflag:s0], s1  }
0xd6: {  	s1 =	ssub.s32 @!p0 $0x0, s1;
	[sflag:s0] =	ssyncset.done @!p0 $0x0  }
0xd7: {  	[sflag:s0] =	ssyncadd.s32 @!p0 s1  }
0xd8: {  	[bflag:$0x3] =	sbarrier.arrive $0xFFFF  }
0xd9: {  	_ =	shalt  }

</sc_bundles>
